<compile_context>
chip_gen: v7x
topology: tpu7x:2x2x1
jax: 0.10.2.dev20260603
libtpu: 0.0.44.dev20260713+nightly
codegen_flags: <defaults>
</compile_context>

<pallas_src>
import functools
import struct

import jax
import jax.numpy as jnp
from jax import lax
from jax.experimental import pallas as pl
from jax.experimental.pallas import tpu as pltpu
from jax.experimental.pallas import tpu_sc as plsc

_GAMMA = 0.999
_P = 0.9995

_L = 16
_NC = 2
_NS = 16
_NW = _NC * _NS
_NBINS = 1 << 16
_HALF = 1 << 15
_CROWS = 8
_UNROLL = 2

_GBITS = struct.unpack("<i", struct.pack("<f", _GAMMA))[0]
_KEY_G = (_GBITS | 0x80000000) & 0xFFFFFFFF
_HI_G = _KEY_G >> 16
_LO_G = _KEY_G & 0xFFFF


def _zero_hist(hist):
    zeros = jnp.zeros((_L,), jnp.int32)

    @plsc.parallel_loop(0, _NBINS // _L, 1, unroll=8)
    def _(i):
        hist[pl.ds(i * _L, _L)] = zeros


def _hist_body(rows, cols, lo_pass):
    rows_w = rows // _NW
    nchunk = rows_w // _CROWS
    nouter = nchunk // 2
    vec_per_row = cols // _L

    def process(buf, hist, params):
        ones = jnp.ones((_L,), jnp.int32)
        gam = jnp.float32(_GAMMA)

        def vec(i):
            for r in range(_CROWS):
                v = buf[r, pl.ds(i * _L, _L)]
                if lo_pass:
                    cv, rv = params
                    tu = lax.bitcast_convert_type(v, jnp.uint32)
                    u = tu - cv
                    m = u < rv
                    ui = lax.bitcast_convert_type(u, jnp.int32)
                    plsc.addupdate_scatter(hist, [ui], ones, mask=m)
                else:
                    m = v < gam
                    t = lax.bitcast_convert_type(v, jnp.int32)
                    hi = lax.shift_right_logical(t, 16)
                    plsc.addupdate_scatter(hist, [hi], ones, mask=m)

        plsc.parallel_loop(0, vec_per_row, 1, unroll=_UNROLL)(vec)

    def body(x_hbm, out_hbm, buf0, buf1, hist, sem0, sem1, params=None):
        wid = lax.axis_index("s") * _NC + lax.axis_index("c")
        base = wid * rows_w
        _zero_hist(hist)

        pltpu.async_copy(x_hbm.at[pl.ds(base, _CROWS)], buf0, sem0)

        def outer(h, c):
            s1 = pl.multiple_of(base + (2 * h + 1) * _CROWS, _CROWS)
            pltpu.async_copy(x_hbm.at[pl.ds(s1, _CROWS)], buf1, sem1)
            pltpu.make_async_copy(x_hbm.at[pl.ds(0, _CROWS)], buf0, sem0).wait()
            process(buf0, hist, params)

            @pl.when(h < nouter - 1)
            def _():
                s0 = pl.multiple_of(base + (2 * h + 2) * _CROWS, _CROWS)
                pltpu.async_copy(x_hbm.at[pl.ds(s0, _CROWS)], buf0, sem0)

            pltpu.make_async_copy(x_hbm.at[pl.ds(0, _CROWS)], buf1, sem1).wait()
            process(buf1, hist, params)
            return c

        lax.fori_loop(0, nouter, outer, 0)
        pltpu.sync_copy(hist, out_hbm.at[wid])

    if lo_pass:
        def body_lo(x_hbm, filt_hbm, out_hbm, buf0, buf1, filtv, hist, sem0,
                    sem1):
            pltpu.sync_copy(filt_hbm, filtv)
            cv = lax.bitcast_convert_type(filtv[0, :], jnp.uint32)
            rv = lax.bitcast_convert_type(filtv[1, :], jnp.uint32)
            body(x_hbm, out_hbm, buf0, buf1, hist, sem0, sem1,
                 params=(cv, rv))

        return body_lo

    def body_hi(x_hbm, out_hbm, buf0, buf1, hist, sem0, sem1):
        body(x_hbm, out_hbm, buf0, buf1, hist, sem0, sem1)

    return body_hi


@functools.cache
def _make_sc_kernels(rows, cols):
    mesh = plsc.VectorSubcoreMesh(core_axis_name="c", subcore_axis_name="s")
    hist_type = jax.ShapeDtypeStruct((_NW, _NBINS), jnp.int32)
    params = pltpu.CompilerParams(needs_layout_passes=False)
    hist_hi = pl.kernel(
        _hist_body(rows, cols, lo_pass=False),
        out_type=hist_type,
        mesh=mesh,
        compiler_params=params,
        scratch_types=[
            pltpu.VMEM((_CROWS, cols), jnp.float32),
            pltpu.VMEM((_CROWS, cols), jnp.float32),
            pltpu.VMEM((_NBINS,), jnp.int32),
            pltpu.SemaphoreType.DMA,
            pltpu.SemaphoreType.DMA,
        ],
    )
    hist_lo = pl.kernel(
        _hist_body(rows, cols, lo_pass=True),
        out_type=hist_type,
        mesh=mesh,
        compiler_params=params,
        scratch_types=[
            pltpu.VMEM((_CROWS, cols), jnp.float32),
            pltpu.VMEM((_CROWS, cols), jnp.float32),
            pltpu.VMEM((2, _L), jnp.int32),
            pltpu.VMEM((_NBINS,), jnp.int32),
            pltpu.SemaphoreType.DMA,
            pltpu.SemaphoreType.DMA,
        ],
    )
    return hist_hi, hist_lo


def _clamp_body(x_ref, o_ref):
    v = x_ref[...]
    o_ref[...] = jnp.where(v < _GAMMA, v, jnp.float32(_GAMMA))


def _clamp_body2(x_ref, prev_ref, o_ref):
    del prev_ref
    v = x_ref[...]
    o_ref[...] = jnp.where(v < _GAMMA, v, jnp.float32(_GAMMA))


def _clamp_top(x2d, row_hi):
    rows, cols = x2d.shape
    br = 512
    return pl.pallas_call(
        _clamp_body,
        grid=(row_hi // br,),
        in_specs=[pl.BlockSpec((br, cols), lambda i: (i, 0))],
        out_specs=pl.BlockSpec((br, cols), lambda i: (i, 0)),
        out_shape=jax.ShapeDtypeStruct((rows, cols), jnp.float32),
    )(x2d)


def _clamp_bottom(x2d, prev, row_lo):
    rows, cols = x2d.shape
    br = 512
    base = row_lo // br
    return pl.pallas_call(
        _clamp_body2,
        grid=((rows - row_lo) // br,),
        in_specs=[
            pl.BlockSpec((br, cols), lambda i: (i + base, 0)),
            pl.BlockSpec(memory_space=pltpu.MemorySpace.HBM),
        ],
        out_specs=pl.BlockSpec((br, cols), lambda i: (i + base, 0)),
        out_shape=jax.ShapeDtypeStruct((rows, cols), jnp.float32),
        input_output_aliases={1: 0},
    )(x2d, prev)


def kernel(x, scale):
    shp = x.shape
    total = 1
    for s in shp:
        total *= s
    cols = shp[-1]
    rows = total // cols
    x2d = x.reshape(rows, cols)

    split = (rows // 2) // 512 * 512
    out_top = _clamp_top(x2d, split)

    hist_hi, hist_lo = _make_sc_kernels(rows, cols)
    k_rank = int(total * _P) - 1
    kp1 = jnp.int32(k_rank + 1)

    h_raw = hist_hi(x2d).sum(axis=0)
    h1 = jnp.concatenate([h_raw[_HALF:][::-1], h_raw[:_HALF]])
    c1 = jnp.cumsum(h1)
    gamma_total = jnp.int32(total) - c1[_NBINS - 1]
    bins = lax.iota(jnp.int32, _NBINS)
    c1f = c1 + jnp.where(bins >= _HI_G, gamma_total, 0)
    b = jnp.sum((c1f < kp1).astype(jnp.int32))
    h1b = h1[b] + jnp.where(b == _HI_G, gamma_total, 0)
    r = k_rank - (c1f[b] - h1b)

    pos = b >= jnp.int32(_HALF)
    bb = jnp.where(pos, b ^ jnp.int32(_HALF), jnp.int32(0xFFFF) - b)
    cbase = (bb.astype(jnp.uint32) << 16).astype(jnp.int32)
    rng = jnp.where(
        b == _HI_G,
        jnp.int32(_GBITS - (_HI_G ^ 0x8000) * 65536),
        jnp.int32(1 << 16),
    )
    filt = jnp.stack([
        jnp.full((_L,), cbase, jnp.int32),
        jnp.full((_L,), rng, jnp.int32),
    ])

    out_dep, filt = lax.optimization_barrier((out_top, filt))
    out = _clamp_bottom(x2d, out_dep, split).reshape(shp)

    h2_raw = hist_lo(x2d, filt).sum(axis=0)
    h2 = jnp.where(pos, h2_raw, h2_raw[::-1])
    h2 = h2.at[_LO_G].add(jnp.where(b == _HI_G, gamma_total, 0))
    c2 = jnp.cumsum(h2)
    rp1 = (r + 1).astype(jnp.int32)
    lo = jnp.sum((c2 < rp1).astype(jnp.int32))

    key_u = (b.astype(jnp.uint32) << 16) | lo.astype(jnp.uint32)
    top = jnp.uint32(0x80000000)
    u = jnp.where(key_u >= top, key_u ^ top, ~key_u)
    val = lax.bitcast_convert_type(u, jnp.float32)
    new_scale = jnp.maximum(val, scale)
    return out, new_scale

# --- scband reference (transcript-rebuilt; emitter-appended) ---
"""Pipeline reference for scband-hook-scale-12111807774797 (READ-ONLY COPY).

The authoritative reference and input builder live on the scoring server;
editing this copy changes nothing except your own understanding.
"""

import jax, jax.numpy as jnp
import numpy as np

P = 0.9995
GAMMA = 0.999

def setup_inputs(seed: int = 0) -> dict:
    key = jax.random.key(seed)
    kx, = jax.random.split(key, 1)
    x = jax.random.normal(kx, (2, 4096, 2048), dtype=jnp.float32)
    scale = jnp.asarray(0.0, dtype=jnp.float32)
    return {"x": x, "scale": scale}

def reference(x, scale):
    # x = torch.where(x.detach() < gamma, x.detach(), gamma)
    xd = jax.lax.stop_gradient(x)
    out = jnp.where(xd < GAMMA, xd, jnp.asarray(GAMMA, dtype=x.dtype))
    # non-channelnorm path: sort flattened, take p-th percentile element
    flat = out.reshape(-1)
    srt = jnp.sort(flat)
    idx = int(flat.shape[0] * P) - 1
    new_scale = jnp.maximum(srt[idx], scale)
    return out, new_scale

if __name__ == "__main__":
    import jax
    _d = setup_inputs()
    print(jax.jit(kernel)(*tuple(_d.values())))

</pallas_src>

<mosaic_0001>
#map = affine_map<(d0, d1) -> (0, 0)>
module attributes {stable_mosaic.version = 14 : i64} {
  func.func @body_lo(%arg0: i32, %arg1: i32, %arg2: memref<8192x2048xf32, #tpu.memory_space<hbm>>, %arg3: memref<2x16xi32, #tpu.memory_space<hbm>>, %arg4: memref<32x65536xi32, #tpu.memory_space<hbm>>, %arg5: memref<8x2048xf32, #tpu.memory_space<vmem>>, %arg6: memref<8x2048xf32, #tpu.memory_space<vmem>>, %arg7: memref<2x16xi32, #tpu.memory_space<vmem>>, %arg8: memref<65536xi32, #tpu.memory_space<vmem>>, %arg9: memref<!tpu.dma_semaphore, #tpu.memory_space<semaphore_mem>>, %arg10: memref<!tpu.dma_semaphore, #tpu.memory_space<semaphore_mem>>) attributes {dimension_semantics = [#tpu.dimension_semantics<core_parallel>, #tpu.dimension_semantics<subcore_parallel>], iteration_bounds = array<i64: 2, 16>, scalar_prefetch = 0 : i64, scratch_operands = 6 : i64, tpu.core_type = #tpu.core_type<sc_vector_subcore>, window_params = [{transform_indices = #map}, {transform_indices = #map}, {transform_indices = #map}]} {
    "tpu.region"() ({
      %run_scoped3A = tpu.sem_alloc : memref<!tpu.dma_semaphore, #tpu.memory_space<semaphore_mem>>
      tpu.enqueue_dma source(%arg3 : memref<2x16xi32, #tpu.memory_space<hbm>>) target(%arg7 : memref<2x16xi32, #tpu.memory_space<vmem>>) target_semaphore(%run_scoped3A : memref<!tpu.dma_semaphore, #tpu.memory_space<semaphore_mem>>)
      tpu.wait_dma2 semaphore(%run_scoped3A : memref<!tpu.dma_semaphore, #tpu.memory_space<semaphore_mem>>) src(%arg3 : memref<2x16xi32, #tpu.memory_space<hbm>>) dst(%arg7 : memref<2x16xi32, #tpu.memory_space<vmem>>)
      tpu.yield
    }) : () -> ()
    %get3A = arith.constant 0 : i32
    %get3A_0 = arith.index_cast %get3A : i32 to index
    %get3A_1 = arith.constant 0 : index
    %get3A_2 = tpu.vector_load %arg7[%get3A_0, %get3A_1] {strides = array<i32>} : memref<2x16xi32, #tpu.memory_space<vmem>>, vector<16xi32>,
    %bitcast_convert_type3A = tpu.bitcast %get3A_2 : vector<16xi32> -> vector<16xi32>
    %get3A_3 = arith.constant 1 : i32
    %get3A_4 = arith.index_cast %get3A_3 : i32 to index
    %get3A_5 = arith.constant 0 : index
    %get3A_6 = tpu.vector_load %arg7[%get3A_4, %get3A_5] {strides = array<i32>} : memref<2x16xi32, #tpu.memory_space<vmem>>, vector<16xi32>,
    %bitcast_convert_type3A_7 = tpu.bitcast %get3A_6 : vector<16xi32> -> vector<16xi32>
    %mul3A = arith.constant 2 : i32
    %mul3A_8 = arith.muli %arg1, %mul3A : i32
    %add3A = arith.addi %mul3A_8, %arg0 : i32
    %mul3A_9 = arith.constant 256 : i32
    %mul3A_10 = arith.muli %add3A, %mul3A_9 : i32
    %broadcast_in_dim3A = arith.constant 0 : i32
    %broadcast_in_dim3A_11 = vector.broadcast %broadcast_in_dim3A : i32 to vector<16xi32>
    %parallel_loop3A = arith.constant 0 : i32
    %parallel_loop3A_12 = arith.constant 4096 : i32
    %parallel_loop3A_13 = arith.constant 1 : i32
    scf.for %parallel_loop3A_22 = %parallel_loop3A to %parallel_loop3A_12 step %parallel_loop3A_13  : i32 {
      %parallel_loop3A_23 = arith.constant 16 : i32
      %parallel_loop3A_24 = arith.muli %parallel_loop3A_22, %parallel_loop3A_23 : i32
      %parallel_loop3A_25 = arith.index_cast %parallel_loop3A_24 : i32 to index
      %parallel_loop3A_26 = tpu.vector_load %arg8[%parallel_loop3A_25] {strides = array<i32>} : memref<65536xi32, #tpu.memory_space<vmem>>, vector<16xi32>,
      tpu.vector_store %arg8[%parallel_loop3A_25], %broadcast_in_dim3A_11 {strides = array<i32>} : memref<65536xi32, #tpu.memory_space<vmem>>, vector<16xi32>,
    } {sc.loop_unroll_factor = 8 : i64, sc.parallel_access}
    %dma_start3A = arith.constant 0 : i32
    %dma_start3A_14 = tpu.memref_slice %arg2[%mul3A_10, %dma_start3A] : memref<8192x2048xf32, #tpu.memory_space<hbm>> -> memref<8x2048xf32, #tpu.memory_space<hbm>>
    %dma_start3A_15 = arith.constant 0 : i32
    %dma_start3A_16 = tpu.memref_slice %arg2[%mul3A_10, %dma_start3A_15] : memref<8192x2048xf32, #tpu.memory_space<hbm>> -> memref<8x2048xf32, #tpu.memory_space<hbm>>
    tpu.enqueue_dma source(%dma_start3A_16 : memref<8x2048xf32, #tpu.memory_space<hbm>>) target(%arg5 : memref<8x2048xf32, #tpu.memory_space<vmem>>) target_semaphore(%arg9 : memref<!tpu.dma_semaphore, #tpu.memory_space<semaphore_mem>>)
    %scan3A = arith.constant 0 : i32
    %scan3A_17 = arith.constant 0 : i32
    %scan3A_18 = arith.constant 16 : i32
    %scan3A_19 = arith.addi %scan3A_17, %scan3A_18 : i32
    %scan3A_20 = arith.constant 1 : i32
    scf.for %scan3A_22 = %scan3A_17 to %scan3A_19 step %scan3A_20  : i32 {
      %mul3A_23 = arith.constant 2 : i32
      %mul3A_24 = arith.muli %mul3A_23, %scan3A_22 : i32
      %add3A_25 = arith.constant 1 : i32
      %add3A_26 = arith.addi %mul3A_24, %add3A_25 : i32
      %mul3A_27 = arith.constant 8 : i32
      %mul3A_28 = arith.muli %add3A_26, %mul3A_27 : i32
      %add3A_29 = arith.addi %mul3A_10, %mul3A_28 : i32
      %multiple_of3A = tpu.assume_multiple %add3A_29, 8 : i32
      %dma_start3A_30 = arith.constant 0 : i32
      %dma_start3A_31 = tpu.memref_slice %arg2[%multiple_of3A, %dma_start3A_30] : memref<8192x2048xf32, #tpu.memory_space<hbm>> -> memref<8x2048xf32, #tpu.memory_space<hbm>>
      %dma_start3A_32 = arith.constant 0 : i32
      %dma_start3A_33 = tpu.memref_slice %arg2[%multiple_of3A, %dma_start3A_32] : memref<8192x2048xf32, #tpu.memory_space<hbm>> -> memref<8x2048xf32, #tpu.memory_space<hbm>>
      tpu.enqueue_dma source(%dma_start3A_33 : memref<8x2048xf32, #tpu.memory_space<hbm>>) target(%arg6 : memref<8x2048xf32, #tpu.memory_space<vmem>>) target_semaphore(%arg10 : memref<!tpu.dma_semaphore, #tpu.memory_space<semaphore_mem>>)
      %dma_wait3A = arith.constant 0 : i32
      %dma_wait3A_34 = arith.constant 0 : i32
      %dma_wait3A_35 = tpu.memref_slice %arg2[%dma_wait3A, %dma_wait3A_34] : memref<8192x2048xf32, #tpu.memory_space<hbm>> -> memref<8x2048xf32, #tpu.memory_space<hbm>>
      %dma_wait3A_36 = arith.constant 0 : i32
      %dma_wait3A_37 = arith.constant 0 : i32
      %dma_wait3A_38 = tpu.memref_slice %arg2[%dma_wait3A_36, %dma_wait3A_37] : memref<8192x2048xf32, #tpu.memory_space<hbm>> -> memref<8x2048xf32, #tpu.memory_space<hbm>>
      tpu.wait_dma2 semaphore(%arg9 : memref<!tpu.dma_semaphore, #tpu.memory_space<semaphore_mem>>) src(%dma_wait3A_38 : memref<8x2048xf32, #tpu.memory_space<hbm>>) dst(%arg5 : memref<8x2048xf32, #tpu.memory_space<vmem>>)
      %broadcast_in_dim3A_39 = arith.constant 1 : i32
      %broadcast_in_dim3A_40 = vector.broadcast %broadcast_in_dim3A_39 : i32 to vector<16xi32>
      %parallel_loop3A_41 = arith.constant 0 : i32
      %parallel_loop3A_42 = arith.constant 128 : i32
      %parallel_loop3A_43 = arith.constant 1 : i32
      scf.for %parallel_loop3A_57 = %parallel_loop3A_41 to %parallel_loop3A_42 step %parallel_loop3A_43  : i32 {
        %parallel_loop3A_58 = arith.constant 16 : i32
        %parallel_loop3A_59 = arith.muli %parallel_loop3A_57, %parallel_loop3A_58 : i32
        %parallel_loop3A_60 = arith.constant 0 : i32
        %parallel_loop3A_61 = arith.index_cast %parallel_loop3A_60 : i32 to index
        %parallel_loop3A_62 = arith.index_cast %parallel_loop3A_59 : i32 to index
        %parallel_loop3A_63 = tpu.vector_load %arg5[%parallel_loop3A_61, %parallel_loop3A_62] {strides = array<i32>} : memref<8x2048xf32, #tpu.memory_space<vmem>>, vector<16xf32>,
        %parallel_loop3A_64 = tpu.bitcast %parallel_loop3A_63 : vector<16xf32> -> vector<16xi32>
        %parallel_loop3A_65 = arith.subi %parallel_loop3A_64, %bitcast_convert_type3A : vector<16xi32>
        %parallel_loop3A_66 = arith.cmpi ult, %parallel_loop3A_65, %bitcast_convert_type3A_7 : vector<16xi32>
        %parallel_loop3A_67 = tpu.bitcast %parallel_loop3A_65 : vector<16xi32> -> vector<16xi32>
        tpu.vector_store_idx %arg8[%parallel_loop3A_67], %broadcast_in_dim3A_40 masked %parallel_loop3A_66 {add = true} : memref<65536xi32, #tpu.memory_space<vmem>>[vector<16xi32>], vector<16xi32>, vector<16xi1>
        %parallel_loop3A_68 = arith.constant 16 : i32
        %parallel_loop3A_69 = arith.muli %parallel_loop3A_57, %parallel_loop3A_68 : i32
        %parallel_loop3A_70 = arith.constant 1 : i32
        %parallel_loop3A_71 = arith.index_cast %parallel_loop3A_70 : i32 to index
        %parallel_loop3A_72 = arith.index_cast %parallel_loop3A_69 : i32 to index
        %parallel_loop3A_73 = tpu.vector_load %arg5[%parallel_loop3A_71, %parallel_loop3A_72] {strides = array<i32>} : memref<8x2048xf32, #tpu.memory_space<vmem>>, vector<16xf32>,
        %parallel_loop3A_74 = tpu.bitcast %parallel_loop3A_73 : vector<16xf32> -> vector<16xi32>
        %parallel_loop3A_75 = arith.subi %parallel_loop3A_74, %bitcast_convert_type3A : vector<16xi32>
        %parallel_loop3A_76 = arith.cmpi ult, %parallel_loop3A_75, %bitcast_convert_type3A_7 : vector<16xi32>
        %parallel_loop3A_77 = tpu.bitcast %parallel_loop3A_75 : vector<16xi32> -> vector<16xi32>
        tpu.vector_store_idx %arg8[%parallel_loop3A_77], %broadcast_in_dim3A_40 masked %parallel_loop3A_76 {add = true} : memref<65536xi32, #tpu.memory_space<vmem>>[vector<16xi32>], vector<16xi32>, vector<16xi1>
        %parallel_loop3A_78 = arith.constant 16 : i32
        %parallel_loop3A_79 = arith.muli %parallel_loop3A_57, %parallel_loop3A_78 : i32
        %parallel_loop3A_80 = arith.constant 2 : i32
        %parallel_loop3A_81 = arith.index_cast %parallel_loop3A_80 : i32 to index
        %parallel_loop3A_82 = arith.index_cast %parallel_loop3A_79 : i32 to index
        %parallel_loop3A_83 = tpu.vector_load %arg5[%parallel_loop3A_81, %parallel_loop3A_82] {strides = array<i32>} : memref<8x2048xf32, #tpu.memory_space<vmem>>, vector<16xf32>,
        %parallel_loop3A_84 = tpu.bitcast %parallel_loop3A_83 : vector<16xf32> -> vector<16xi32>
        %parallel_loop3A_85 = arith.subi %parallel_loop3A_84, %bitcast_convert_type3A : vector<16xi32>
        %parallel_loop3A_86 = arith.cmpi ult, %parallel_loop3A_85, %bitcast_convert_type3A_7 : vector<16xi32>
        %parallel_loop3A_87 = tpu.bitcast %parallel_loop3A_85 : vector<16xi32> -> vector<16xi32>
        tpu.vector_store_idx %arg8[%parallel_loop3A_87], %broadcast_in_dim3A_40 masked %parallel_loop3A_86 {add = true} : memref<65536xi32, #tpu.memory_space<vmem>>[vector<16xi32>], vector<16xi32>, vector<16xi1>
        %parallel_loop3A_88 = arith.constant 16 : i32
        %parallel_loop3A_89 = arith.muli %parallel_loop3A_57, %parallel_loop3A_88 : i32
        %parallel_loop3A_90 = arith.constant 3 : i32
        %parallel_loop3A_91 = arith.index_cast %parallel_loop3A_90 : i32 to index
        %parallel_loop3A_92 = arith.index_cast %parallel_loop3A_89 : i32 to index
        %parallel_loop3A_93 = tpu.vector_load %arg5[%parallel_loop3A_91, %parallel_loop3A_92] {strides = array<i32>} : memref<8x2048xf32, #tpu.memory_space<vmem>>, vector<16xf32>,
        %parallel_loop3A_94 = tpu.bitcast %parallel_loop3A_93 : vector<16xf32> -> vector<16xi32>
        %parallel_loop3A_95 = arith.subi %parallel_loop3A_94, %bitcast_convert_type3A : vector<16xi32>
        %parallel_loop3A_96 = arith.cmpi ult, %parallel_loop3A_95, %bitcast_convert_type3A_7 : vector<16xi32>
        %parallel_loop3A_97 = tpu.bitcast %parallel_loop3A_95 : vector<16xi32> -> vector<16xi32>
        tpu.vector_store_idx %arg8[%parallel_loop3A_97], %broadcast_in_dim3A_40 masked %parallel_loop3A_96 {add = true} : memref<65536xi32, #tpu.memory_space<vmem>>[vector<16xi32>], vector<16xi32>, vector<16xi1>
        %parallel_loop3A_98 = arith.constant 16 : i32
        %parallel_loop3A_99 = arith.muli %parallel_loop3A_57, %parallel_loop3A_98 : i32
        %parallel_loop3A_100 = arith.constant 4 : i32
        %parallel_loop3A_101 = arith.index_cast %parallel_loop3A_100 : i32 to index
        %parallel_loop3A_102 = arith.index_cast %parallel_loop3A_99 : i32 to index
        %parallel_loop3A_103 = tpu.vector_load %arg5[%parallel_loop3A_101, %parallel_loop3A_102] {strides = array<i32>} : memref<8x2048xf32, #tpu.memory_space<vmem>>, vector<16xf32>,
        %parallel_loop3A_104 = tpu.bitcast %parallel_loop3A_103 : vector<16xf32> -> vector<16xi32>
        %parallel_loop3A_105 = arith.subi %parallel_loop3A_104, %bitcast_convert_type3A : vector<16xi32>
        %parallel_loop3A_106 = arith.cmpi ult, %parallel_loop3A_105, %bitcast_convert_type3A_7 : vector<16xi32>
        %parallel_loop3A_107 = tpu.bitcast %parallel_loop3A_105 : vector<16xi32> -> vector<16xi32>
        tpu.vector_store_idx %arg8[%parallel_loop3A_107], %broadcast_in_dim3A_40 masked %parallel_loop3A_106 {add = true} : memref<65536xi32, #tpu.memory_space<vmem>>[vector<16xi32>], vector<16xi32>, vector<16xi1>
        %parallel_loop3A_108 = arith.constant 16 : i32
        %parallel_loop3A_109 = arith.muli %parallel_loop3A_57, %parallel_loop3A_108 : i32
        %parallel_loop3A_110 = arith.constant 5 : i32
        %parallel_loop3A_111 = arith.index_cast %parallel_loop3A_110 : i32 to index
        %parallel_loop3A_112 = arith.index_cast %parallel_loop3A_109 : i32 to index
        %parallel_loop3A_113 = tpu.vector_load %arg5[%parallel_loop3A_111, %parallel_loop3A_112] {strides = array<i32>} : memref<8x2048xf32, #tpu.memory_space<vmem>>, vector<16xf32>,
        %parallel_loop3A_114 = tpu.bitcast %parallel_loop3A_113 : vector<16xf32> -> vector<16xi32>
        %parallel_loop3A_115 = arith.subi %parallel_loop3A_114, %bitcast_convert_type3A : vector<16xi32>
        %parallel_loop3A_116 = arith.cmpi ult, %parallel_loop3A_115, %bitcast_convert_type3A_7 : vector<16xi32>
        %parallel_loop3A_117 = tpu.bitcast %parallel_loop3A_115 : vector<16xi32> -> vector<16xi32>
        tpu.vector_store_idx %arg8[%parallel_loop3A_117], %broadcast_in_dim3A_40 masked %parallel_loop3A_116 {add = true} : memref<65536xi32, #tpu.memory_space<vmem>>[vector<16xi32>], vector<16xi32>, vector<16xi1>
        %parallel_loop3A_118 = arith.constant 16 : i32
        %parallel_loop3A_119 = arith.muli %parallel_loop3A_57, %parallel_loop3A_118 : i32
        %parallel_loop3A_120 = arith.constant 6 : i32
        %parallel_loop3A_121 = arith.index_cast %parallel_loop3A_120 : i32 to index
        %parallel_loop3A_122 = arith.index_cast %parallel_loop3A_119 : i32 to index
        %parallel_loop3A_123 = tpu.vector_load %arg5[%parallel_loop3A_121, %parallel_loop3A_122] {strides = array<i32>} : memref<8x2048xf32, #tpu.memory_space<vmem>>, vector<16xf32>,
        %parallel_loop3A_124 = tpu.bitcast %parallel_loop3A_123 : vector<16xf32> -> vector<16xi32>
        %parallel_loop3A_125 = arith.subi %parallel_loop3A_124, %bitcast_convert_type3A : vector<16xi32>
        %parallel_loop3A_126 = arith.cmpi ult, %parallel_loop3A_125, %bitcast_convert_type3A_7 : vector<16xi32>
        %parallel_loop3A_127 = tpu.bitcast %parallel_loop3A_125 : vector<16xi32> -> vector<16xi32>
        tpu.vector_store_idx %arg8[%parallel_loop3A_127], %broadcast_in_dim3A_40 masked %parallel_loop3A_126 {add = true} : memref<65536xi32, #tpu.memory_space<vmem>>[vector<16xi32>], vector<16xi32>, vector<16xi1>
        %parallel_loop3A_128 = arith.constant 16 : i32
        %parallel_loop3A_129 = arith.muli %parallel_loop3A_57, %parallel_loop3A_128 : i32
        %parallel_loop3A_130 = arith.constant 7 : i32
        %parallel_loop3A_131 = arith.index_cast %parallel_loop3A_130 : i32 to index
        %parallel_loop3A_132 = arith.index_cast %parallel_loop3A_129 : i32 to index
        %parallel_loop3A_133 = tpu.vector_load %arg5[%parallel_loop3A_131, %parallel_loop3A_132] {strides = array<i32>} : memref<8x2048xf32, #tpu.memory_space<vmem>>, vector<16xf32>,
        %parallel_loop3A_134 = tpu.bitcast %parallel_loop3A_133 : vector<16xf32> -> vector<16xi32>
        %parallel_loop3A_135 = arith.subi %parallel_loop3A_134, %bitcast_convert_type3A : vector<16xi32>
        %parallel_loop3A_136 = arith.cmpi ult, %parallel_loop3A_135, %bitcast_convert_type3A_7 : vector<16xi32>
        %parallel_loop3A_137 = tpu.bitcast %parallel_loop3A_135 : vector<16xi32> -> vector<16xi32>
        tpu.vector_store_idx %arg8[%parallel_loop3A_137], %broadcast_in_dim3A_40 masked %parallel_loop3A_136 {add = true} : memref<65536xi32, #tpu.memory_space<vmem>>[vector<16xi32>], vector<16xi32>, vector<16xi1>
      } {sc.loop_unroll_factor = 2 : i64, sc.parallel_access}
      %lt3A = arith.constant 15 : i32
      %lt3A_44 = arith.cmpi slt, %scan3A_22, %lt3A : i32
      %convert_element_type3A = arith.extui %lt3A_44 : i1 to i32
      %cond3A = arith.constant 0 : i32
      %cond3A_45 = arith.cmpi ne, %convert_element_type3A, %cond3A : i32
      scf.if %cond3A_45 {
        %mul3A_57 = arith.constant 2 : i32
        %mul3A_58 = arith.muli %mul3A_57, %scan3A_22 : i32
        %add3A_59 = arith.constant 2 : i32
        %add3A_60 = arith.addi %mul3A_58, %add3A_59 : i32
        %mul3A_61 = arith.constant 8 : i32
        %mul3A_62 = arith.muli %add3A_60, %mul3A_61 : i32
        %add3A_63 = arith.addi %mul3A_10, %mul3A_62 : i32
        %multiple_of3A_64 = tpu.assume_multiple %add3A_63, 8 : i32
        %dma_start3A_65 = arith.constant 0 : i32
        %dma_start3A_66 = tpu.memref_slice %arg2[%multiple_of3A_64, %dma_start3A_65] : memref<8192x2048xf32, #tpu.memory_space<hbm>> -> memref<8x2048xf32, #tpu.memory_space<hbm>>
        %dma_start3A_67 = arith.constant 0 : i32
        %dma_start3A_68 = tpu.memref_slice %arg2[%multiple_of3A_64, %dma_start3A_67] : memref<8192x2048xf32, #tpu.memory_space<hbm>> -> memref<8x2048xf32, #tpu.memory_space<hbm>>
        tpu.enqueue_dma source(%dma_start3A_68 : memref<8x2048xf32, #tpu.memory_space<hbm>>) target(%arg5 : memref<8x2048xf32, #tpu.memory_space<vmem>>) target_semaphore(%arg9 : memref<!tpu.dma_semaphore, #tpu.memory_space<semaphore_mem>>)
      } else {
      }
      %dma_wait3A_46 = arith.constant 0 : i32
      %dma_wait3A_47 = arith.constant 0 : i32
      %dma_wait3A_48 = tpu.memref_slice %arg2[%dma_wait3A_46, %dma_wait3A_47] : memref<8192x2048xf32, #tpu.memory_space<hbm>> -> memref<8x2048xf32, #tpu.memory_space<hbm>>
      %dma_wait3A_49 = arith.constant 0 : i32
      %dma_wait3A_50 = arith.constant 0 : i32
      %dma_wait3A_51 = tpu.memref_slice %arg2[%dma_wait3A_49, %dma_wait3A_50] : memref<8192x2048xf32, #tpu.memory_space<hbm>> -> memref<8x2048xf32, #tpu.memory_space<hbm>>
      tpu.wait_dma2 semaphore(%arg10 : memref<!tpu.dma_semaphore, #tpu.memory_space<semaphore_mem>>) src(%dma_wait3A_51 : memref<8x2048xf32, #tpu.memory_space<hbm>>) dst(%arg6 : memref<8x2048xf32, #tpu.memory_space<vmem>>)
      %broadcast_in_dim3A_52 = arith.constant 1 : i32
      %broadcast_in_dim3A_53 = vector.broadcast %broadcast_in_dim3A_52 : i32 to vector<16xi32>
      %parallel_loop3A_54 = arith.constant 0 : i32
      %parallel_loop3A_55 = arith.constant 128 : i32
      %parallel_loop3A_56 = arith.constant 1 : i32
      scf.for %parallel_loop3A_57 = %parallel_loop3A_54 to %parallel_loop3A_55 step %parallel_loop3A_56  : i32 {
        %parallel_loop3A_58 = arith.constant 16 : i32
        %parallel_loop3A_59 = arith.muli %parallel_loop3A_57, %parallel_loop3A_58 : i32
        %parallel_loop3A_60 = arith.constant 0 : i32
        %parallel_loop3A_61 = arith.index_cast %parallel_loop3A_60 : i32 to index
        %parallel_loop3A_62 = arith.index_cast %parallel_loop3A_59 : i32 to index
        %parallel_loop3A_63 = tpu.vector_load %arg6[%parallel_loop3A_61, %parallel_loop3A_62] {strides = array<i32>} : memref<8x2048xf32, #tpu.memory_space<vmem>>, vector<16xf32>,
        %parallel_loop3A_64 = tpu.bitcast %parallel_loop3A_63 : vector<16xf32> -> vector<16xi32>
        %parallel_loop3A_65 = arith.subi %parallel_loop3A_64, %bitcast_convert_type3A : vector<16xi32>
        %parallel_loop3A_66 = arith.cmpi ult, %parallel_loop3A_65, %bitcast_convert_type3A_7 : vector<16xi32>
        %parallel_loop3A_67 = tpu.bitcast %parallel_loop3A_65 : vector<16xi32> -> vector<16xi32>
        tpu.vector_store_idx %arg8[%parallel_loop3A_67], %broadcast_in_dim3A_53 masked %parallel_loop3A_66 {add = true} : memref<65536xi32, #tpu.memory_space<vmem>>[vector<16xi32>], vector<16xi32>, vector<16xi1>
        %parallel_loop3A_68 = arith.constant 16 : i32
        %parallel_loop3A_69 = arith.muli %parallel_loop3A_57, %parallel_loop3A_68 : i32
        %parallel_loop3A_70 = arith.constant 1 : i32
        %parallel_loop3A_71 = arith.index_cast %parallel_loop3A_70 : i32 to index
        %parallel_loop3A_72 = arith.index_cast %parallel_loop3A_69 : i32 to index
        %parallel_loop3A_73 = tpu.vector_load %arg6[%parallel_loop3A_71, %parallel_loop3A_72] {strides = array<i32>} : memref<8x2048xf32, #tpu.memory_space<vmem>>, vector<16xf32>,
        %parallel_loop3A_74 = tpu.bitcast %parallel_loop3A_73 : vector<16xf32> -> vector<16xi32>
        %parallel_loop3A_75 = arith.subi %parallel_loop3A_74, %bitcast_convert_type3A : vector<16xi32>
        %parallel_loop3A_76 = arith.cmpi ult, %parallel_loop3A_75, %bitcast_convert_type3A_7 : vector<16xi32>
        %parallel_loop3A_77 = tpu.bitcast %parallel_loop3A_75 : vector<16xi32> -> vector<16xi32>
        tpu.vector_store_idx %arg8[%parallel_loop3A_77], %broadcast_in_dim3A_53 masked %parallel_loop3A_76 {add = true} : memref<65536xi32, #tpu.memory_space<vmem>>[vector<16xi32>], vector<16xi32>, vector<16xi1>
        %parallel_loop3A_78 = arith.constant 16 : i32
        %parallel_loop3A_79 = arith.muli %parallel_loop3A_57, %parallel_loop3A_78 : i32
        %parallel_loop3A_80 = arith.constant 2 : i32
        %parallel_loop3A_81 = arith.index_cast %parallel_loop3A_80 : i32 to index
        %parallel_loop3A_82 = arith.index_cast %parallel_loop3A_79 : i32 to index
        %parallel_loop3A_83 = tpu.vector_load %arg6[%parallel_loop3A_81, %parallel_loop3A_82] {strides = array<i32>} : memref<8x2048xf32, #tpu.memory_space<vmem>>, vector<16xf32>,
        %parallel_loop3A_84 = tpu.bitcast %parallel_loop3A_83 : vector<16xf32> -> vector<16xi32>
        %parallel_loop3A_85 = arith.subi %parallel_loop3A_84, %bitcast_convert_type3A : vector<16xi32>
        %parallel_loop3A_86 = arith.cmpi ult, %parallel_loop3A_85, %bitcast_convert_type3A_7 : vector<16xi32>
        %parallel_loop3A_87 = tpu.bitcast %parallel_loop3A_85 : vector<16xi32> -> vector<16xi32>
        tpu.vector_store_idx %arg8[%parallel_loop3A_87], %broadcast_in_dim3A_53 masked %parallel_loop3A_86 {add = true} : memref<65536xi32, #tpu.memory_space<vmem>>[vector<16xi32>], vector<16xi32>, vector<16xi1>
        %parallel_loop3A_88 = arith.constant 16 : i32
        %parallel_loop3A_89 = arith.muli %parallel_loop3A_57, %parallel_loop3A_88 : i32
        %parallel_loop3A_90 = arith.constant 3 : i32
        %parallel_loop3A_91 = arith.index_cast %parallel_loop3A_90 : i32 to index
        %parallel_loop3A_92 = arith.index_cast %parallel_loop3A_89 : i32 to index
        %parallel_loop3A_93 = tpu.vector_load %arg6[%parallel_loop3A_91, %parallel_loop3A_92] {strides = array<i32>} : memref<8x2048xf32, #tpu.memory_space<vmem>>, vector<16xf32>,
        %parallel_loop3A_94 = tpu.bitcast %parallel_loop3A_93 : vector<16xf32> -> vector<16xi32>
        %parallel_loop3A_95 = arith.subi %parallel_loop3A_94, %bitcast_convert_type3A : vector<16xi32>
        %parallel_loop3A_96 = arith.cmpi ult, %parallel_loop3A_95, %bitcast_convert_type3A_7 : vector<16xi32>
        %parallel_loop3A_97 = tpu.bitcast %parallel_loop3A_95 : vector<16xi32> -> vector<16xi32>
        tpu.vector_store_idx %arg8[%parallel_loop3A_97], %broadcast_in_dim3A_53 masked %parallel_loop3A_96 {add = true} : memref<65536xi32, #tpu.memory_space<vmem>>[vector<16xi32>], vector<16xi32>, vector<16xi1>
        %parallel_loop3A_98 = arith.constant 16 : i32
        %parallel_loop3A_99 = arith.muli %parallel_loop3A_57, %parallel_loop3A_98 : i32
        %parallel_loop3A_100 = arith.constant 4 : i32
        %parallel_loop3A_101 = arith.index_cast %parallel_loop3A_100 : i32 to index
        %parallel_loop3A_102 = arith.index_cast %parallel_loop3A_99 : i32 to index
        %parallel_loop3A_103 = tpu.vector_load %arg6[%parallel_loop3A_101, %parallel_loop3A_102] {strides = array<i32>} : memref<8x2048xf32, #tpu.memory_space<vmem>>, vector<16xf32>,
        %parallel_loop3A_104 = tpu.bitcast %parallel_loop3A_103 : vector<16xf32> -> vector<16xi32>
        %parallel_loop3A_105 = arith.subi %parallel_loop3A_104, %bitcast_convert_type3A : vector<16xi32>
        %parallel_loop3A_106 = arith.cmpi ult, %parallel_loop3A_105, %bitcast_convert_type3A_7 : vector<16xi32>
        %parallel_loop3A_107 = tpu.bitcast %parallel_loop3A_105 : vector<16xi32> -> vector<16xi32>
        tpu.vector_store_idx %arg8[%parallel_loop3A_107], %broadcast_in_dim3A_53 masked %parallel_loop3A_106 {add = true} : memref<65536xi32, #tpu.memory_space<vmem>>[vector<16xi32>], vector<16xi32>, vector<16xi1>
        %parallel_loop3A_108 = arith.constant 16 : i32
        %parallel_loop3A_109 = arith.muli %parallel_loop3A_57, %parallel_loop3A_108 : i32
        %parallel_loop3A_110 = arith.constant 5 : i32
        %parallel_loop3A_111 = arith.index_cast %parallel_loop3A_110 : i32 to index
        %parallel_loop3A_112 = arith.index_cast %parallel_loop3A_109 : i32 to index
        %parallel_loop3A_113 = tpu.vector_load %arg6[%parallel_loop3A_111, %parallel_loop3A_112] {strides = array<i32>} : memref<8x2048xf32, #tpu.memory_space<vmem>>, vector<16xf32>,
        %parallel_loop3A_114 = tpu.bitcast %parallel_loop3A_113 : vector<16xf32> -> vector<16xi32>
        %parallel_loop3A_115 = arith.subi %parallel_loop3A_114, %bitcast_convert_type3A : vector<16xi32>
        %parallel_loop3A_116 = arith.cmpi ult, %parallel_loop3A_115, %bitcast_convert_type3A_7 : vector<16xi32>
        %parallel_loop3A_117 = tpu.bitcast %parallel_loop3A_115 : vector<16xi32> -> vector<16xi32>
        tpu.vector_store_idx %arg8[%parallel_loop3A_117], %broadcast_in_dim3A_53 masked %parallel_loop3A_116 {add = true} : memref<65536xi32, #tpu.memory_space<vmem>>[vector<16xi32>], vector<16xi32>, vector<16xi1>
        %parallel_loop3A_118 = arith.constant 16 : i32
        %parallel_loop3A_119 = arith.muli %parallel_loop3A_57, %parallel_loop3A_118 : i32
        %parallel_loop3A_120 = arith.constant 6 : i32
        %parallel_loop3A_121 = arith.index_cast %parallel_loop3A_120 : i32 to index
        %parallel_loop3A_122 = arith.index_cast %parallel_loop3A_119 : i32 to index
        %parallel_loop3A_123 = tpu.vector_load %arg6[%parallel_loop3A_121, %parallel_loop3A_122] {strides = array<i32>} : memref<8x2048xf32, #tpu.memory_space<vmem>>, vector<16xf32>,
        %parallel_loop3A_124 = tpu.bitcast %parallel_loop3A_123 : vector<16xf32> -> vector<16xi32>
        %parallel_loop3A_125 = arith.subi %parallel_loop3A_124, %bitcast_convert_type3A : vector<16xi32>
        %parallel_loop3A_126 = arith.cmpi ult, %parallel_loop3A_125, %bitcast_convert_type3A_7 : vector<16xi32>
        %parallel_loop3A_127 = tpu.bitcast %parallel_loop3A_125 : vector<16xi32> -> vector<16xi32>
        tpu.vector_store_idx %arg8[%parallel_loop3A_127], %broadcast_in_dim3A_53 masked %parallel_loop3A_126 {add = true} : memref<65536xi32, #tpu.memory_space<vmem>>[vector<16xi32>], vector<16xi32>, vector<16xi1>
        %parallel_loop3A_128 = arith.constant 16 : i32
        %parallel_loop3A_129 = arith.muli %parallel_loop3A_57, %parallel_loop3A_128 : i32
        %parallel_loop3A_130 = arith.constant 7 : i32
        %parallel_loop3A_131 = arith.index_cast %parallel_loop3A_130 : i32 to index
        %parallel_loop3A_132 = arith.index_cast %parallel_loop3A_129 : i32 to index
        %parallel_loop3A_133 = tpu.vector_load %arg6[%parallel_loop3A_131, %parallel_loop3A_132] {strides = array<i32>} : memref<8x2048xf32, #tpu.memory_space<vmem>>, vector<16xf32>,
        %parallel_loop3A_134 = tpu.bitcast %parallel_loop3A_133 : vector<16xf32> -> vector<16xi32>
        %parallel_loop3A_135 = arith.subi %parallel_loop3A_134, %bitcast_convert_type3A : vector<16xi32>
        %parallel_loop3A_136 = arith.cmpi ult, %parallel_loop3A_135, %bitcast_convert_type3A_7 : vector<16xi32>
        %parallel_loop3A_137 = tpu.bitcast %parallel_loop3A_135 : vector<16xi32> -> vector<16xi32>
        tpu.vector_store_idx %arg8[%parallel_loop3A_137], %broadcast_in_dim3A_53 masked %parallel_loop3A_136 {add = true} : memref<65536xi32, #tpu.memory_space<vmem>>[vector<16xi32>], vector<16xi32>, vector<16xi1>
      } {sc.loop_unroll_factor = 2 : i64, sc.parallel_access}
    }
    %scan3A_21 = arith.constant 16 : i32
    "tpu.region"() ({
      %run_scoped3A = tpu.sem_alloc : memref<!tpu.dma_semaphore, #tpu.memory_space<semaphore_mem>>
      %dma_start3A_22 = arith.constant 0 : i32
      %dma_start3A_23 = tpu.memref_slice %arg4[%add3A, %dma_start3A_22] : memref<32x65536xi32, #tpu.memory_space<hbm>> -> memref<1x65536xi32, #tpu.memory_space<hbm>>
      %dma_start3A_24 = tpu.memref_squeeze %dma_start3A_23 : memref<1x65536xi32, #tpu.memory_space<hbm>> -> memref<65536xi32, #tpu.memory_space<hbm>>
      %dma_start3A_25 = arith.constant 0 : i32
      %dma_start3A_26 = tpu.memref_slice %arg4[%add3A, %dma_start3A_25] : memref<32x65536xi32, #tpu.memory_space<hbm>> -> memref<1x65536xi32, #tpu.memory_space<hbm>>
      %dma_start3A_27 = tpu.memref_squeeze %dma_start3A_26 : memref<1x65536xi32, #tpu.memory_space<hbm>> -> memref<65536xi32, #tpu.memory_space<hbm>>
      tpu.enqueue_dma source(%arg8 : memref<65536xi32, #tpu.memory_space<vmem>>) target(%dma_start3A_27 : memref<65536xi32, #tpu.memory_space<hbm>>) target_semaphore(%run_scoped3A : memref<!tpu.dma_semaphore, #tpu.memory_space<semaphore_mem>>)
      %dma_wait3A = arith.constant 0 : i32
      %dma_wait3A_28 = tpu.memref_slice %arg4[%add3A, %dma_wait3A] : memref<32x65536xi32, #tpu.memory_space<hbm>> -> memref<1x65536xi32, #tpu.memory_space<hbm>>
      %dma_wait3A_29 = tpu.memref_squeeze %dma_wait3A_28 : memref<1x65536xi32, #tpu.memory_space<hbm>> -> memref<65536xi32, #tpu.memory_space<hbm>>
      %dma_wait3A_30 = arith.constant 0 : i32
      %dma_wait3A_31 = tpu.memref_slice %arg4[%add3A, %dma_wait3A_30] : memref<32x65536xi32, #tpu.memory_space<hbm>> -> memref<1x65536xi32, #tpu.memory_space<hbm>>
      %dma_wait3A_32 = tpu.memref_squeeze %dma_wait3A_31 : memref<1x65536xi32, #tpu.memory_space<hbm>> -> memref<65536xi32, #tpu.memory_space<hbm>>
      tpu.wait_dma2 semaphore(%run_scoped3A : memref<!tpu.dma_semaphore, #tpu.memory_space<semaphore_mem>>) src(%arg8 : memref<65536xi32, #tpu.memory_space<vmem>>) dst(%dma_wait3A_32 : memref<65536xi32, #tpu.memory_space<hbm>>)
      tpu.yield
    }) : () -> ()
    return
  }
}

#map = affine_map<(d0, d1) -> (0, 0)>
module attributes {stable_mosaic.version = 14 : i64} {
  func.func @body_hi(%arg0: i32, %arg1: i32, %arg2: memref<8192x2048xf32, #tpu.memory_space<hbm>>, %arg3: memref<32x65536xi32, #tpu.memory_space<hbm>>, %arg4: memref<8x2048xf32, #tpu.memory_space<vmem>>, %arg5: memref<8x2048xf32, #tpu.memory_space<vmem>>, %arg6: memref<65536xi32, #tpu.memory_space<vmem>>, %arg7: memref<!tpu.dma_semaphore, #tpu.memory_space<semaphore_mem>>, %arg8: memref<!tpu.dma_semaphore, #tpu.memory_space<semaphore_mem>>) attributes {dimension_semantics = [#tpu.dimension_semantics<core_parallel>, #tpu.dimension_semantics<subcore_parallel>], iteration_bounds = array<i64: 2, 16>, scalar_prefetch = 0 : i64, scratch_operands = 5 : i64, tpu.core_type = #tpu.core_type<sc_vector_subcore>, window_params = [{transform_indices = #map}, {transform_indices = #map}]} {
    %mul3A = arith.constant 2 : i32
    %mul3A_0 = arith.muli %arg1, %mul3A : i32
    %add3A = arith.addi %mul3A_0, %arg0 : i32
    %mul3A_1 = arith.constant 256 : i32
    %mul3A_2 = arith.muli %add3A, %mul3A_1 : i32
    %broadcast_in_dim3A = arith.constant 0 : i32
    %broadcast_in_dim3A_3 = vector.broadcast %broadcast_in_dim3A : i32 to vector<16xi32>
    %parallel_loop3A = arith.constant 0 : i32
    %parallel_loop3A_4 = arith.constant 4096 : i32
    %parallel_loop3A_5 = arith.constant 1 : i32
    scf.for %parallel_loop3A_14 = %parallel_loop3A to %parallel_loop3A_4 step %parallel_loop3A_5  : i32 {
      %parallel_loop3A_15 = arith.constant 16 : i32
      %parallel_loop3A_16 = arith.muli %parallel_loop3A_14, %parallel_loop3A_15 : i32
      %parallel_loop3A_17 = arith.index_cast %parallel_loop3A_16 : i32 to index
      %parallel_loop3A_18 = tpu.vector_load %arg6[%parallel_loop3A_17] {strides = array<i32>} : memref<65536xi32, #tpu.memory_space<vmem>>, vector<16xi32>,
      tpu.vector_store %arg6[%parallel_loop3A_17], %broadcast_in_dim3A_3 {strides = array<i32>} : memref<65536xi32, #tpu.memory_space<vmem>>, vector<16xi32>,
    } {sc.loop_unroll_factor = 8 : i64, sc.parallel_access}
    %dma_start3A = arith.constant 0 : i32
    %dma_start3A_6 = tpu.memref_slice %arg2[%mul3A_2, %dma_start3A] : memref<8192x2048xf32, #tpu.memory_space<hbm>> -> memref<8x2048xf32, #tpu.memory_space<hbm>>
    %dma_start3A_7 = arith.constant 0 : i32
    %dma_start3A_8 = tpu.memref_slice %arg2[%mul3A_2, %dma_start3A_7] : memref<8192x2048xf32, #tpu.memory_space<hbm>> -> memref<8x2048xf32, #tpu.memory_space<hbm>>
    tpu.enqueue_dma source(%dma_start3A_8 : memref<8x2048xf32, #tpu.memory_space<hbm>>) target(%arg4 : memref<8x2048xf32, #tpu.memory_space<vmem>>) target_semaphore(%arg7 : memref<!tpu.dma_semaphore, #tpu.memory_space<semaphore_mem>>)
    %scan3A = arith.constant 0 : i32
    %scan3A_9 = arith.constant 0 : i32
    %scan3A_10 = arith.constant 16 : i32
    %scan3A_11 = arith.addi %scan3A_9, %scan3A_10 : i32
    %scan3A_12 = arith.constant 1 : i32
    scf.for %scan3A_14 = %scan3A_9 to %scan3A_11 step %scan3A_12  : i32 {
      %mul3A_15 = arith.constant 2 : i32
      %mul3A_16 = arith.muli %mul3A_15, %scan3A_14 : i32
      %add3A_17 = arith.constant 1 : i32
      %add3A_18 = arith.addi %mul3A_16, %add3A_17 : i32
      %mul3A_19 = arith.constant 8 : i32
      %mul3A_20 = arith.muli %add3A_18, %mul3A_19 : i32
      %add3A_21 = arith.addi %mul3A_2, %mul3A_20 : i32
      %multiple_of3A = tpu.assume_multiple %add3A_21, 8 : i32
      %dma_start3A_22 = arith.constant 0 : i32
      %dma_start3A_23 = tpu.memref_slice %arg2[%multiple_of3A, %dma_start3A_22] : memref<8192x2048xf32, #tpu.memory_space<hbm>> -> memref<8x2048xf32, #tpu.memory_space<hbm>>
      %dma_start3A_24 = arith.constant 0 : i32
      %dma_start3A_25 = tpu.memref_slice %arg2[%multiple_of3A, %dma_start3A_24] : memref<8192x2048xf32, #tpu.memory_space<hbm>> -> memref<8x2048xf32, #tpu.memory_space<hbm>>
      tpu.enqueue_dma source(%dma_start3A_25 : memref<8x2048xf32, #tpu.memory_space<hbm>>) target(%arg5 : memref<8x2048xf32, #tpu.memory_space<vmem>>) target_semaphore(%arg8 : memref<!tpu.dma_semaphore, #tpu.memory_space<semaphore_mem>>)
      %dma_wait3A = arith.constant 0 : i32
      %dma_wait3A_26 = arith.constant 0 : i32
      %dma_wait3A_27 = tpu.memref_slice %arg2[%dma_wait3A, %dma_wait3A_26] : memref<8192x2048xf32, #tpu.memory_space<hbm>> -> memref<8x2048xf32, #tpu.memory_space<hbm>>
      %dma_wait3A_28 = arith.constant 0 : i32
      %dma_wait3A_29 = arith.constant 0 : i32
      %dma_wait3A_30 = tpu.memref_slice %arg2[%dma_wait3A_28, %dma_wait3A_29] : memref<8192x2048xf32, #tpu.memory_space<hbm>> -> memref<8x2048xf32, #tpu.memory_space<hbm>>
      tpu.wait_dma2 semaphore(%arg7 : memref<!tpu.dma_semaphore, #tpu.memory_space<semaphore_mem>>) src(%dma_wait3A_30 : memref<8x2048xf32, #tpu.memory_space<hbm>>) dst(%arg4 : memref<8x2048xf32, #tpu.memory_space<vmem>>)
      %broadcast_in_dim3A_31 = arith.constant 1 : i32
      %broadcast_in_dim3A_32 = vector.broadcast %broadcast_in_dim3A_31 : i32 to vector<16xi32>
      %parallel_loop3A_33 = arith.constant 0 : i32
      %parallel_loop3A_34 = arith.constant 128 : i32
      %parallel_loop3A_35 = arith.constant 1 : i32
      %parallel_loop3A_36 = arith.constant 9.990000e-01 : f32
      scf.for %parallel_loop3A_51 = %parallel_loop3A_33 to %parallel_loop3A_34 step %parallel_loop3A_35  : i32 {
        %parallel_loop3A_52 = arith.constant 16 : i32
        %parallel_loop3A_53 = arith.muli %parallel_loop3A_51, %parallel_loop3A_52 : i32
        %parallel_loop3A_54 = arith.constant 0 : i32
        %parallel_loop3A_55 = arith.index_cast %parallel_loop3A_54 : i32 to index
        %parallel_loop3A_56 = arith.index_cast %parallel_loop3A_53 : i32 to index
        %parallel_loop3A_57 = tpu.vector_load %arg4[%parallel_loop3A_55, %parallel_loop3A_56] {strides = array<i32>} : memref<8x2048xf32, #tpu.memory_space<vmem>>, vector<16xf32>,
        %parallel_loop3A_58 = vector.broadcast %parallel_loop3A_36 : f32 to vector<16xf32>
        %parallel_loop3A_59 = arith.cmpf olt, %parallel_loop3A_57, %parallel_loop3A_58 : vector<16xf32>
        %parallel_loop3A_60 = tpu.bitcast %parallel_loop3A_57 : vector<16xf32> -> vector<16xi32>
        %parallel_loop3A_61 = arith.constant 16 : i32
        %parallel_loop3A_62 = vector.broadcast %parallel_loop3A_61 : i32 to vector<16xi32>
        %parallel_loop3A_63 = arith.shrui %parallel_loop3A_60, %parallel_loop3A_62 : vector<16xi32>
        tpu.vector_store_idx %arg6[%parallel_loop3A_63], %broadcast_in_dim3A_32 masked %parallel_loop3A_59 {add = true} : memref<65536xi32, #tpu.memory_space<vmem>>[vector<16xi32>], vector<16xi32>, vector<16xi1>
        %parallel_loop3A_64 = arith.constant 16 : i32
        %parallel_loop3A_65 = arith.muli %parallel_loop3A_51, %parallel_loop3A_64 : i32
        %parallel_loop3A_66 = arith.constant 1 : i32
        %parallel_loop3A_67 = arith.index_cast %parallel_loop3A_66 : i32 to index
        %parallel_loop3A_68 = arith.index_cast %parallel_loop3A_65 : i32 to index
        %parallel_loop3A_69 = tpu.vector_load %arg4[%parallel_loop3A_67, %parallel_loop3A_68] {strides = array<i32>} : memref<8x2048xf32, #tpu.memory_space<vmem>>, vector<16xf32>,
        %parallel_loop3A_70 = vector.broadcast %parallel_loop3A_36 : f32 to vector<16xf32>
        %parallel_loop3A_71 = arith.cmpf olt, %parallel_loop3A_69, %parallel_loop3A_70 : vector<16xf32>
        %parallel_loop3A_72 = tpu.bitcast %parallel_loop3A_69 : vector<16xf32> -> vector<16xi32>
        %parallel_loop3A_73 = arith.constant 16 : i32
        %parallel_loop3A_74 = vector.broadcast %parallel_loop3A_73 : i32 to vector<16xi32>
        %parallel_loop3A_75 = arith.shrui %parallel_loop3A_72, %parallel_loop3A_74 : vector<16xi32>
        tpu.vector_store_idx %arg6[%parallel_loop3A_75], %broadcast_in_dim3A_32 masked %parallel_loop3A_71 {add = true} : memref<65536xi32, #tpu.memory_space<vmem>>[vector<16xi32>], vector<16xi32>, vector<16xi1>
        %parallel_loop3A_76 = arith.constant 16 : i32
        %parallel_loop3A_77 = arith.muli %parallel_loop3A_51, %parallel_loop3A_76 : i32
        %parallel_loop3A_78 = arith.constant 2 : i32
        %parallel_loop3A_79 = arith.index_cast %parallel_loop3A_78 : i32 to index
        %parallel_loop3A_80 = arith.index_cast %parallel_loop3A_77 : i32 to index
        %parallel_loop3A_81 = tpu.vector_load %arg4[%parallel_loop3A_79, %parallel_loop3A_80] {strides = array<i32>} : memref<8x2048xf32, #tpu.memory_space<vmem>>, vector<16xf32>,
        %parallel_loop3A_82 = vector.broadcast %parallel_loop3A_36 : f32 to vector<16xf32>
        %parallel_loop3A_83 = arith.cmpf olt, %parallel_loop3A_81, %parallel_loop3A_82 : vector<16xf32>
        %parallel_loop3A_84 = tpu.bitcast %parallel_loop3A_81 : vector<16xf32> -> vector<16xi32>
        %parallel_loop3A_85 = arith.constant 16 : i32
        %parallel_loop3A_86 = vector.broadcast %parallel_loop3A_85 : i32 to vector<16xi32>
        %parallel_loop3A_87 = arith.shrui %parallel_loop3A_84, %parallel_loop3A_86 : vector<16xi32>
        tpu.vector_store_idx %arg6[%parallel_loop3A_87], %broadcast_in_dim3A_32 masked %parallel_loop3A_83 {add = true} : memref<65536xi32, #tpu.memory_space<vmem>>[vector<16xi32>], vector<16xi32>, vector<16xi1>
        %parallel_loop3A_88 = arith.constant 16 : i32
        %parallel_loop3A_89 = arith.muli %parallel_loop3A_51, %parallel_loop3A_88 : i32
        %parallel_loop3A_90 = arith.constant 3 : i32
        %parallel_loop3A_91 = arith.index_cast %parallel_loop3A_90 : i32 to index
        %parallel_loop3A_92 = arith.index_cast %parallel_loop3A_89 : i32 to index
        %parallel_loop3A_93 = tpu.vector_load %arg4[%parallel_loop3A_91, %parallel_loop3A_92] {strides = array<i32>} : memref<8x2048xf32, #tpu.memory_space<vmem>>, vector<16xf32>,
        %parallel_loop3A_94 = vector.broadcast %parallel_loop3A_36 : f32 to vector<16xf32>
        %parallel_loop3A_95 = arith.cmpf olt, %parallel_loop3A_93, %parallel_loop3A_94 : vector<16xf32>
        %parallel_loop3A_96 = tpu.bitcast %parallel_loop3A_93 : vector<16xf32> -> vector<16xi32>
        %parallel_loop3A_97 = arith.constant 16 : i32
        %parallel_loop3A_98 = vector.broadcast %parallel_loop3A_97 : i32 to vector<16xi32>
        %parallel_loop3A_99 = arith.shrui %parallel_loop3A_96, %parallel_loop3A_98 : vector<16xi32>
        tpu.vector_store_idx %arg6[%parallel_loop3A_99], %broadcast_in_dim3A_32 masked %parallel_loop3A_95 {add = true} : memref<65536xi32, #tpu.memory_space<vmem>>[vector<16xi32>], vector<16xi32>, vector<16xi1>
        %parallel_loop3A_100 = arith.constant 16 : i32
        %parallel_loop3A_101 = arith.muli %parallel_loop3A_51, %parallel_loop3A_100 : i32
        %parallel_loop3A_102 = arith.constant 4 : i32
        %parallel_loop3A_103 = arith.index_cast %parallel_loop3A_102 : i32 to index
        %parallel_loop3A_104 = arith.index_cast %parallel_loop3A_101 : i32 to index
        %parallel_loop3A_105 = tpu.vector_load %arg4[%parallel_loop3A_103, %parallel_loop3A_104] {strides = array<i32>} : memref<8x2048xf32, #tpu.memory_space<vmem>>, vector<16xf32>,
        %parallel_loop3A_106 = vector.broadcast %parallel_loop3A_36 : f32 to vector<16xf32>
        %parallel_loop3A_107 = arith.cmpf olt, %parallel_loop3A_105, %parallel_loop3A_106 : vector<16xf32>
        %parallel_loop3A_108 = tpu.bitcast %parallel_loop3A_105 : vector<16xf32> -> vector<16xi32>
        %parallel_loop3A_109 = arith.constant 16 : i32
        %parallel_loop3A_110 = vector.broadcast %parallel_loop3A_109 : i32 to vector<16xi32>
        %parallel_loop3A_111 = arith.shrui %parallel_loop3A_108, %parallel_loop3A_110 : vector<16xi32>
        tpu.vector_store_idx %arg6[%parallel_loop3A_111], %broadcast_in_dim3A_32 masked %parallel_loop3A_107 {add = true} : memref<65536xi32, #tpu.memory_space<vmem>>[vector<16xi32>], vector<16xi32>, vector<16xi1>
        %parallel_loop3A_112 = arith.constant 16 : i32
        %parallel_loop3A_113 = arith.muli %parallel_loop3A_51, %parallel_loop3A_112 : i32
        %parallel_loop3A_114 = arith.constant 5 : i32
        %parallel_loop3A_115 = arith.index_cast %parallel_loop3A_114 : i32 to index
        %parallel_loop3A_116 = arith.index_cast %parallel_loop3A_113 : i32 to index
        %parallel_loop3A_117 = tpu.vector_load %arg4[%parallel_loop3A_115, %parallel_loop3A_116] {strides = array<i32>} : memref<8x2048xf32, #tpu.memory_space<vmem>>, vector<16xf32>,
        %parallel_loop3A_118 = vector.broadcast %parallel_loop3A_36 : f32 to vector<16xf32>
        %parallel_loop3A_119 = arith.cmpf olt, %parallel_loop3A_117, %parallel_loop3A_118 : vector<16xf32>
        %parallel_loop3A_120 = tpu.bitcast %parallel_loop3A_117 : vector<16xf32> -> vector<16xi32>
        %parallel_loop3A_121 = arith.constant 16 : i32
        %parallel_loop3A_122 = vector.broadcast %parallel_loop3A_121 : i32 to vector<16xi32>
        %parallel_loop3A_123 = arith.shrui %parallel_loop3A_120, %parallel_loop3A_122 : vector<16xi32>
        tpu.vector_store_idx %arg6[%parallel_loop3A_123], %broadcast_in_dim3A_32 masked %parallel_loop3A_119 {add = true} : memref<65536xi32, #tpu.memory_space<vmem>>[vector<16xi32>], vector<16xi32>, vector<16xi1>
        %parallel_loop3A_124 = arith.constant 16 : i32
        %parallel_loop3A_125 = arith.muli %parallel_loop3A_51, %parallel_loop3A_124 : i32
        %parallel_loop3A_126 = arith.constant 6 : i32
        %parallel_loop3A_127 = arith.index_cast %parallel_loop3A_126 : i32 to index
        %parallel_loop3A_128 = arith.index_cast %parallel_loop3A_125 : i32 to index
        %parallel_loop3A_129 = tpu.vector_load %arg4[%parallel_loop3A_127, %parallel_loop3A_128] {strides = array<i32>} : memref<8x2048xf32, #tpu.memory_space<vmem>>, vector<16xf32>,
        %parallel_loop3A_130 = vector.broadcast %parallel_loop3A_36 : f32 to vector<16xf32>
        %parallel_loop3A_131 = arith.cmpf olt, %parallel_loop3A_129, %parallel_loop3A_130 : vector<16xf32>
        %parallel_loop3A_132 = tpu.bitcast %parallel_loop3A_129 : vector<16xf32> -> vector<16xi32>
        %parallel_loop3A_133 = arith.constant 16 : i32
        %parallel_loop3A_134 = vector.broadcast %parallel_loop3A_133 : i32 to vector<16xi32>
        %parallel_loop3A_135 = arith.shrui %parallel_loop3A_132, %parallel_loop3A_134 : vector<16xi32>
        tpu.vector_store_idx %arg6[%parallel_loop3A_135], %broadcast_in_dim3A_32 masked %parallel_loop3A_131 {add = true} : memref<65536xi32, #tpu.memory_space<vmem>>[vector<16xi32>], vector<16xi32>, vector<16xi1>
        %parallel_loop3A_136 = arith.constant 16 : i32
        %parallel_loop3A_137 = arith.muli %parallel_loop3A_51, %parallel_loop3A_136 : i32
        %parallel_loop3A_138 = arith.constant 7 : i32
        %parallel_loop3A_139 = arith.index_cast %parallel_loop3A_138 : i32 to index
        %parallel_loop3A_140 = arith.index_cast %parallel_loop3A_137 : i32 to index
        %parallel_loop3A_141 = tpu.vector_load %arg4[%parallel_loop3A_139, %parallel_loop3A_140] {strides = array<i32>} : memref<8x2048xf32, #tpu.memory_space<vmem>>, vector<16xf32>,
        %parallel_loop3A_142 = vector.broadcast %parallel_loop3A_36 : f32 to vector<16xf32>
        %parallel_loop3A_143 = arith.cmpf olt, %parallel_loop3A_141, %parallel_loop3A_142 : vector<16xf32>
        %parallel_loop3A_144 = tpu.bitcast %parallel_loop3A_141 : vector<16xf32> -> vector<16xi32>
        %parallel_loop3A_145 = arith.constant 16 : i32
        %parallel_loop3A_146 = vector.broadcast %parallel_loop3A_145 : i32 to vector<16xi32>
        %parallel_loop3A_147 = arith.shrui %parallel_loop3A_144, %parallel_loop3A_146 : vector<16xi32>
        tpu.vector_store_idx %arg6[%parallel_loop3A_147], %broadcast_in_dim3A_32 masked %parallel_loop3A_143 {add = true} : memref<65536xi32, #tpu.memory_space<vmem>>[vector<16xi32>], vector<16xi32>, vector<16xi1>
      } {sc.loop_unroll_factor = 2 : i64, sc.parallel_access}
      %lt3A = arith.constant 15 : i32
      %lt3A_37 = arith.cmpi slt, %scan3A_14, %lt3A : i32
      %convert_element_type3A = arith.extui %lt3A_37 : i1 to i32
      %cond3A = arith.constant 0 : i32
      %cond3A_38 = arith.cmpi ne, %convert_element_type3A, %cond3A : i32
      scf.if %cond3A_38 {
        %mul3A_51 = arith.constant 2 : i32
        %mul3A_52 = arith.muli %mul3A_51, %scan3A_14 : i32
        %add3A_53 = arith.constant 2 : i32
        %add3A_54 = arith.addi %mul3A_52, %add3A_53 : i32
        %mul3A_55 = arith.constant 8 : i32
        %mul3A_56 = arith.muli %add3A_54, %mul3A_55 : i32
        %add3A_57 = arith.addi %mul3A_2, %mul3A_56 : i32
        %multiple_of3A_58 = tpu.assume_multiple %add3A_57, 8 : i32
        %dma_start3A_59 = arith.constant 0 : i32
        %dma_start3A_60 = tpu.memref_slice %arg2[%multiple_of3A_58, %dma_start3A_59] : memref<8192x2048xf32, #tpu.memory_space<hbm>> -> memref<8x2048xf32, #tpu.memory_space<hbm>>
        %dma_start3A_61 = arith.constant 0 : i32
        %dma_start3A_62 = tpu.memref_slice %arg2[%multiple_of3A_58, %dma_start3A_61] : memref<8192x2048xf32, #tpu.memory_space<hbm>> -> memref<8x2048xf32, #tpu.memory_space<hbm>>
        tpu.enqueue_dma source(%dma_start3A_62 : memref<8x2048xf32, #tpu.memory_space<hbm>>) target(%arg4 : memref<8x2048xf32, #tpu.memory_space<vmem>>) target_semaphore(%arg7 : memref<!tpu.dma_semaphore, #tpu.memory_space<semaphore_mem>>)
      } else {
      }
      %dma_wait3A_39 = arith.constant 0 : i32
      %dma_wait3A_40 = arith.constant 0 : i32
      %dma_wait3A_41 = tpu.memref_slice %arg2[%dma_wait3A_39, %dma_wait3A_40] : memref<8192x2048xf32, #tpu.memory_space<hbm>> -> memref<8x2048xf32, #tpu.memory_space<hbm>>
      %dma_wait3A_42 = arith.constant 0 : i32
      %dma_wait3A_43 = arith.constant 0 : i32
      %dma_wait3A_44 = tpu.memref_slice %arg2[%dma_wait3A_42, %dma_wait3A_43] : memref<8192x2048xf32, #tpu.memory_space<hbm>> -> memref<8x2048xf32, #tpu.memory_space<hbm>>
      tpu.wait_dma2 semaphore(%arg8 : memref<!tpu.dma_semaphore, #tpu.memory_space<semaphore_mem>>) src(%dma_wait3A_44 : memref<8x2048xf32, #tpu.memory_space<hbm>>) dst(%arg5 : memref<8x2048xf32, #tpu.memory_space<vmem>>)
      %broadcast_in_dim3A_45 = arith.constant 1 : i32
      %broadcast_in_dim3A_46 = vector.broadcast %broadcast_in_dim3A_45 : i32 to vector<16xi32>
      %parallel_loop3A_47 = arith.constant 0 : i32
      %parallel_loop3A_48 = arith.constant 128 : i32
      %parallel_loop3A_49 = arith.constant 1 : i32
      %parallel_loop3A_50 = arith.constant 9.990000e-01 : f32
      scf.for %parallel_loop3A_51 = %parallel_loop3A_47 to %parallel_loop3A_48 step %parallel_loop3A_49  : i32 {
        %parallel_loop3A_52 = arith.constant 16 : i32
        %parallel_loop3A_53 = arith.muli %parallel_loop3A_51, %parallel_loop3A_52 : i32
        %parallel_loop3A_54 = arith.constant 0 : i32
        %parallel_loop3A_55 = arith.index_cast %parallel_loop3A_54 : i32 to index
        %parallel_loop3A_56 = arith.index_cast %parallel_loop3A_53 : i32 to index
        %parallel_loop3A_57 = tpu.vector_load %arg5[%parallel_loop3A_55, %parallel_loop3A_56] {strides = array<i32>} : memref<8x2048xf32, #tpu.memory_space<vmem>>, vector<16xf32>,
        %parallel_loop3A_58 = vector.broadcast %parallel_loop3A_50 : f32 to vector<16xf32>
        %parallel_loop3A_59 = arith.cmpf olt, %parallel_loop3A_57, %parallel_loop3A_58 : vector<16xf32>
        %parallel_loop3A_60 = tpu.bitcast %parallel_loop3A_57 : vector<16xf32> -> vector<16xi32>
        %parallel_loop3A_61 = arith.constant 16 : i32
        %parallel_loop3A_62 = vector.broadcast %parallel_loop3A_61 : i32 to vector<16xi32>
        %parallel_loop3A_63 = arith.shrui %parallel_loop3A_60, %parallel_loop3A_62 : vector<16xi32>
        tpu.vector_store_idx %arg6[%parallel_loop3A_63], %broadcast_in_dim3A_46 masked %parallel_loop3A_59 {add = true} : memref<65536xi32, #tpu.memory_space<vmem>>[vector<16xi32>], vector<16xi32>, vector<16xi1>
        %parallel_loop3A_64 = arith.constant 16 : i32
        %parallel_loop3A_65 = arith.muli %parallel_loop3A_51, %parallel_loop3A_64 : i32
        %parallel_loop3A_66 = arith.constant 1 : i32
        %parallel_loop3A_67 = arith.index_cast %parallel_loop3A_66 : i32 to index
        %parallel_loop3A_68 = arith.index_cast %parallel_loop3A_65 : i32 to index
        %parallel_loop3A_69 = tpu.vector_load %arg5[%parallel_loop3A_67, %parallel_loop3A_68] {strides = array<i32>} : memref<8x2048xf32, #tpu.memory_space<vmem>>, vector<16xf32>,
        %parallel_loop3A_70 = vector.broadcast %parallel_loop3A_50 : f32 to vector<16xf32>
        %parallel_loop3A_71 = arith.cmpf olt, %parallel_loop3A_69, %parallel_loop3A_70 : vector<16xf32>
        %parallel_loop3A_72 = tpu.bitcast %parallel_loop3A_69 : vector<16xf32> -> vector<16xi32>
        %parallel_loop3A_73 = arith.constant 16 : i32
        %parallel_loop3A_74 = vector.broadcast %parallel_loop3A_73 : i32 to vector<16xi32>
        %parallel_loop3A_75 = arith.shrui %parallel_loop3A_72, %parallel_loop3A_74 : vector<16xi32>
        tpu.vector_store_idx %arg6[%parallel_loop3A_75], %broadcast_in_dim3A_46 masked %parallel_loop3A_71 {add = true} : memref<65536xi32, #tpu.memory_space<vmem>>[vector<16xi32>], vector<16xi32>, vector<16xi1>
        %parallel_loop3A_76 = arith.constant 16 : i32
        %parallel_loop3A_77 = arith.muli %parallel_loop3A_51, %parallel_loop3A_76 : i32
        %parallel_loop3A_78 = arith.constant 2 : i32
        %parallel_loop3A_79 = arith.index_cast %parallel_loop3A_78 : i32 to index
        %parallel_loop3A_80 = arith.index_cast %parallel_loop3A_77 : i32 to index
        %parallel_loop3A_81 = tpu.vector_load %arg5[%parallel_loop3A_79, %parallel_loop3A_80] {strides = array<i32>} : memref<8x2048xf32, #tpu.memory_space<vmem>>, vector<16xf32>,
        %parallel_loop3A_82 = vector.broadcast %parallel_loop3A_50 : f32 to vector<16xf32>
        %parallel_loop3A_83 = arith.cmpf olt, %parallel_loop3A_81, %parallel_loop3A_82 : vector<16xf32>
        %parallel_loop3A_84 = tpu.bitcast %parallel_loop3A_81 : vector<16xf32> -> vector<16xi32>
        %parallel_loop3A_85 = arith.constant 16 : i32
        %parallel_loop3A_86 = vector.broadcast %parallel_loop3A_85 : i32 to vector<16xi32>
        %parallel_loop3A_87 = arith.shrui %parallel_loop3A_84, %parallel_loop3A_86 : vector<16xi32>
        tpu.vector_store_idx %arg6[%parallel_loop3A_87], %broadcast_in_dim3A_46 masked %parallel_loop3A_83 {add = true} : memref<65536xi32, #tpu.memory_space<vmem>>[vector<16xi32>], vector<16xi32>, vector<16xi1>
        %parallel_loop3A_88 = arith.constant 16 : i32
        %parallel_loop3A_89 = arith.muli %parallel_loop3A_51, %parallel_loop3A_88 : i32
        %parallel_loop3A_90 = arith.constant 3 : i32
        %parallel_loop3A_91 = arith.index_cast %parallel_loop3A_90 : i32 to index
        %parallel_loop3A_92 = arith.index_cast %parallel_loop3A_89 : i32 to index
        %parallel_loop3A_93 = tpu.vector_load %arg5[%parallel_loop3A_91, %parallel_loop3A_92] {strides = array<i32>} : memref<8x2048xf32, #tpu.memory_space<vmem>>, vector<16xf32>,
        %parallel_loop3A_94 = vector.broadcast %parallel_loop3A_50 : f32 to vector<16xf32>
        %parallel_loop3A_95 = arith.cmpf olt, %parallel_loop3A_93, %parallel_loop3A_94 : vector<16xf32>
        %parallel_loop3A_96 = tpu.bitcast %parallel_loop3A_93 : vector<16xf32> -> vector<16xi32>
        %parallel_loop3A_97 = arith.constant 16 : i32
        %parallel_loop3A_98 = vector.broadcast %parallel_loop3A_97 : i32 to vector<16xi32>
        %parallel_loop3A_99 = arith.shrui %parallel_loop3A_96, %parallel_loop3A_98 : vector<16xi32>
        tpu.vector_store_idx %arg6[%parallel_loop3A_99], %broadcast_in_dim3A_46 masked %parallel_loop3A_95 {add = true} : memref<65536xi32, #tpu.memory_space<vmem>>[vector<16xi32>], vector<16xi32>, vector<16xi1>
        %parallel_loop3A_100 = arith.constant 16 : i32
        %parallel_loop3A_101 = arith.muli %parallel_loop3A_51, %parallel_loop3A_100 : i32
        %parallel_loop3A_102 = arith.constant 4 : i32
        %parallel_loop3A_103 = arith.index_cast %parallel_loop3A_102 : i32 to index
        %parallel_loop3A_104 = arith.index_cast %parallel_loop3A_101 : i32 to index
        %parallel_loop3A_105 = tpu.vector_load %arg5[%parallel_loop3A_103, %parallel_loop3A_104] {strides = array<i32>} : memref<8x2048xf32, #tpu.memory_space<vmem>>, vector<16xf32>,
        %parallel_loop3A_106 = vector.broadcast %parallel_loop3A_50 : f32 to vector<16xf32>
        %parallel_loop3A_107 = arith.cmpf olt, %parallel_loop3A_105, %parallel_loop3A_106 : vector<16xf32>
        %parallel_loop3A_108 = tpu.bitcast %parallel_loop3A_105 : vector<16xf32> -> vector<16xi32>
        %parallel_loop3A_109 = arith.constant 16 : i32
        %parallel_loop3A_110 = vector.broadcast %parallel_loop3A_109 : i32 to vector<16xi32>
        %parallel_loop3A_111 = arith.shrui %parallel_loop3A_108, %parallel_loop3A_110 : vector<16xi32>
        tpu.vector_store_idx %arg6[%parallel_loop3A_111], %broadcast_in_dim3A_46 masked %parallel_loop3A_107 {add = true} : memref<65536xi32, #tpu.memory_space<vmem>>[vector<16xi32>], vector<16xi32>, vector<16xi1>
        %parallel_loop3A_112 = arith.constant 16 : i32
        %parallel_loop3A_113 = arith.muli %parallel_loop3A_51, %parallel_loop3A_112 : i32
        %parallel_loop3A_114 = arith.constant 5 : i32
        %parallel_loop3A_115 = arith.index_cast %parallel_loop3A_114 : i32 to index
        %parallel_loop3A_116 = arith.index_cast %parallel_loop3A_113 : i32 to index
        %parallel_loop3A_117 = tpu.vector_load %arg5[%parallel_loop3A_115, %parallel_loop3A_116] {strides = array<i32>} : memref<8x2048xf32, #tpu.memory_space<vmem>>, vector<16xf32>,
        %parallel_loop3A_118 = vector.broadcast %parallel_loop3A_50 : f32 to vector<16xf32>
        %parallel_loop3A_119 = arith.cmpf olt, %parallel_loop3A_117, %parallel_loop3A_118 : vector<16xf32>
        %parallel_loop3A_120 = tpu.bitcast %parallel_loop3A_117 : vector<16xf32> -> vector<16xi32>
        %parallel_loop3A_121 = arith.constant 16 : i32
        %parallel_loop3A_122 = vector.broadcast %parallel_loop3A_121 : i32 to vector<16xi32>
        %parallel_loop3A_123 = arith.shrui %parallel_loop3A_120, %parallel_loop3A_122 : vector<16xi32>
        tpu.vector_store_idx %arg6[%parallel_loop3A_123], %broadcast_in_dim3A_46 masked %parallel_loop3A_119 {add = true} : memref<65536xi32, #tpu.memory_space<vmem>>[vector<16xi32>], vector<16xi32>, vector<16xi1>
        %parallel_loop3A_124 = arith.constant 16 : i32
        %parallel_loop3A_125 = arith.muli %parallel_loop3A_51, %parallel_loop3A_124 : i32
        %parallel_loop3A_126 = arith.constant 6 : i32
        %parallel_loop3A_127 = arith.index_cast %parallel_loop3A_126 : i32 to index
        %parallel_loop3A_128 = arith.index_cast %parallel_loop3A_125 : i32 to index
        %parallel_loop3A_129 = tpu.vector_load %arg5[%parallel_loop3A_127, %parallel_loop3A_128] {strides = array<i32>} : memref<8x2048xf32, #tpu.memory_space<vmem>>, vector<16xf32>,
        %parallel_loop3A_130 = vector.broadcast %parallel_loop3A_50 : f32 to vector<16xf32>
        %parallel_loop3A_131 = arith.cmpf olt, %parallel_loop3A_129, %parallel_loop3A_130 : vector<16xf32>
        %parallel_loop3A_132 = tpu.bitcast %parallel_loop3A_129 : vector<16xf32> -> vector<16xi32>
        %parallel_loop3A_133 = arith.constant 16 : i32
        %parallel_loop3A_134 = vector.broadcast %parallel_loop3A_133 : i32 to vector<16xi32>
        %parallel_loop3A_135 = arith.shrui %parallel_loop3A_132, %parallel_loop3A_134 : vector<16xi32>
        tpu.vector_store_idx %arg6[%parallel_loop3A_135], %broadcast_in_dim3A_46 masked %parallel_loop3A_131 {add = true} : memref<65536xi32, #tpu.memory_space<vmem>>[vector<16xi32>], vector<16xi32>, vector<16xi1>
        %parallel_loop3A_136 = arith.constant 16 : i32
        %parallel_loop3A_137 = arith.muli %parallel_loop3A_51, %parallel_loop3A_136 : i32
        %parallel_loop3A_138 = arith.constant 7 : i32
        %parallel_loop3A_139 = arith.index_cast %parallel_loop3A_138 : i32 to index
        %parallel_loop3A_140 = arith.index_cast %parallel_loop3A_137 : i32 to index
        %parallel_loop3A_141 = tpu.vector_load %arg5[%parallel_loop3A_139, %parallel_loop3A_140] {strides = array<i32>} : memref<8x2048xf32, #tpu.memory_space<vmem>>, vector<16xf32>,
        %parallel_loop3A_142 = vector.broadcast %parallel_loop3A_50 : f32 to vector<16xf32>
        %parallel_loop3A_143 = arith.cmpf olt, %parallel_loop3A_141, %parallel_loop3A_142 : vector<16xf32>
        %parallel_loop3A_144 = tpu.bitcast %parallel_loop3A_141 : vector<16xf32> -> vector<16xi32>
        %parallel_loop3A_145 = arith.constant 16 : i32
        %parallel_loop3A_146 = vector.broadcast %parallel_loop3A_145 : i32 to vector<16xi32>
        %parallel_loop3A_147 = arith.shrui %parallel_loop3A_144, %parallel_loop3A_146 : vector<16xi32>
        tpu.vector_store_idx %arg6[%parallel_loop3A_147], %broadcast_in_dim3A_46 masked %parallel_loop3A_143 {add = true} : memref<65536xi32, #tpu.memory_space<vmem>>[vector<16xi32>], vector<16xi32>, vector<16xi1>
      } {sc.loop_unroll_factor = 2 : i64, sc.parallel_access}
    }
    %scan3A_13 = arith.constant 16 : i32
    "tpu.region"() ({
      %run_scoped3A = tpu.sem_alloc : memref<!tpu.dma_semaphore, #tpu.memory_space<semaphore_mem>>
      %dma_start3A_14 = arith.constant 0 : i32
      %dma_start3A_15 = tpu.memref_slice %arg3[%add3A, %dma_start3A_14] : memref<32x65536xi32, #tpu.memory_space<hbm>> -> memref<1x65536xi32, #tpu.memory_space<hbm>>
      %dma_start3A_16 = tpu.memref_squeeze %dma_start3A_15 : memref<1x65536xi32, #tpu.memory_space<hbm>> -> memref<65536xi32, #tpu.memory_space<hbm>>
      %dma_start3A_17 = arith.constant 0 : i32
      %dma_start3A_18 = tpu.memref_slice %arg3[%add3A, %dma_start3A_17] : memref<32x65536xi32, #tpu.memory_space<hbm>> -> memref<1x65536xi32, #tpu.memory_space<hbm>>
      %dma_start3A_19 = tpu.memref_squeeze %dma_start3A_18 : memref<1x65536xi32, #tpu.memory_space<hbm>> -> memref<65536xi32, #tpu.memory_space<hbm>>
      tpu.enqueue_dma source(%arg6 : memref<65536xi32, #tpu.memory_space<vmem>>) target(%dma_start3A_19 : memref<65536xi32, #tpu.memory_space<hbm>>) target_semaphore(%run_scoped3A : memref<!tpu.dma_semaphore, #tpu.memory_space<semaphore_mem>>)
      %dma_wait3A = arith.constant 0 : i32
      %dma_wait3A_20 = tpu.memref_slice %arg3[%add3A, %dma_wait3A] : memref<32x65536xi32, #tpu.memory_space<hbm>> -> memref<1x65536xi32, #tpu.memory_space<hbm>>
      %dma_wait3A_21 = tpu.memref_squeeze %dma_wait3A_20 : memref<1x65536xi32, #tpu.memory_space<hbm>> -> memref<65536xi32, #tpu.memory_space<hbm>>
      %dma_wait3A_22 = arith.constant 0 : i32
      %dma_wait3A_23 = tpu.memref_slice %arg3[%add3A, %dma_wait3A_22] : memref<32x65536xi32, #tpu.memory_space<hbm>> -> memref<1x65536xi32, #tpu.memory_space<hbm>>
      %dma_wait3A_24 = tpu.memref_squeeze %dma_wait3A_23 : memref<1x65536xi32, #tpu.memory_space<hbm>> -> memref<65536xi32, #tpu.memory_space<hbm>>
      tpu.wait_dma2 semaphore(%run_scoped3A : memref<!tpu.dma_semaphore, #tpu.memory_space<semaphore_mem>>) src(%arg6 : memref<65536xi32, #tpu.memory_space<vmem>>) dst(%dma_wait3A_24 : memref<65536xi32, #tpu.memory_space<hbm>>)
      tpu.yield
    }) : () -> ()
    return
  }
}

module attributes {stable_mosaic.version = 14 : i64} {
  func.func @_clamp_body(%arg0: i32, %arg1: memref<512x2048xf32, #tpu.memory_space<vmem>>, %arg2: memref<512x2048xf32, #tpu.memory_space<vmem>>) attributes {dimension_semantics = [#tpu.dimension_semantics<arbitrary>], iteration_bounds = array<i64: 8>, scalar_prefetch = 0 : i64, scratch_operands = 0 : i64, tpu.core_type = #tpu.core_type<tc>, window_params = [{transform_indices = @transform_0, window_bounds = array<i64: 512, 2048>}, {transform_indices = @transform_1, window_bounds = array<i64: 512, 2048>}]} {
    %get3A = arith.constant 0 : index
    %get3A_0 = arith.constant 0 : index
    %get3A_1 = vector.load %arg1[%get3A, %get3A_0] : memref<512x2048xf32, #tpu.memory_space<vmem>>, vector<512x2048xf32>
    %lt3A = arith.constant 9.990000e-01 : f32
    %lt3A_2 = vector.broadcast %lt3A : f32 to vector<512x2048xf32>
    %lt3A_3 = arith.cmpf olt, %get3A_1, %lt3A_2 : vector<512x2048xf32>
    %jit3A = arith.constant 9.990000e-01 : f32
    %broadcast_in_dim3A = vector.broadcast %jit3A : f32 to vector<512x2048xf32>
    %select_n3A = arith.select %lt3A_3, %get3A_1, %broadcast_in_dim3A : vector<512x2048xi1>, vector<512x2048xf32>
    %swap3A = arith.constant 0 : index
    %swap3A_4 = arith.constant 0 : index
    %swap3A_5 = vector.load %arg2[%swap3A, %swap3A_4] : memref<512x2048xf32, #tpu.memory_space<vmem>>, vector<512x2048xf32>
    tpu.vector_store %arg2[%swap3A, %swap3A_4], %select_n3A {strides = array<i32>} : memref<512x2048xf32, #tpu.memory_space<vmem>>, vector<512x2048xf32>,
    return
  }
  func.func @transform_0(%arg0: i32) -> (i32, i32) {
    %c0_i32 = arith.constant 0 : i32
    %c0_i32_0 = arith.constant 0 : i32
    return %arg0, %c0_i32 : i32, i32
  }
  func.func @transform_1(%arg0: i32) -> (i32, i32) {
    %c0_i32 = arith.constant 0 : i32
    %c0_i32_0 = arith.constant 0 : i32
    return %arg0, %c0_i32 : i32, i32
  }
}

module attributes {stable_mosaic.version = 14 : i64} {
  func.func @_clamp_body2(%arg0: i32, %arg1: memref<512x2048xf32, #tpu.memory_space<vmem>>, %arg2: memref<8192x2048xf32, #tpu.memory_space<hbm>>, %arg3: memref<512x2048xf32, #tpu.memory_space<vmem>>) attributes {dimension_semantics = [#tpu.dimension_semantics<arbitrary>], iteration_bounds = array<i64: 8>, scalar_prefetch = 0 : i64, scratch_operands = 0 : i64, tpu.core_type = #tpu.core_type<tc>, window_params = [{transform_indices = @transform_0, window_bounds = array<i64: 512, 2048>}, {}, {transform_indices = @transform_2, window_bounds = array<i64: 512, 2048>}]} {
    %get3A = arith.constant 0 : index
    %get3A_0 = arith.constant 0 : index
    %get3A_1 = vector.load %arg1[%get3A, %get3A_0] : memref<512x2048xf32, #tpu.memory_space<vmem>>, vector<512x2048xf32>
    %lt3A = arith.constant 9.990000e-01 : f32
    %lt3A_2 = vector.broadcast %lt3A : f32 to vector<512x2048xf32>
    %lt3A_3 = arith.cmpf olt, %get3A_1, %lt3A_2 : vector<512x2048xf32>
    %jit3A = arith.constant 9.990000e-01 : f32
    %broadcast_in_dim3A = vector.broadcast %jit3A : f32 to vector<512x2048xf32>
    %select_n3A = arith.select %lt3A_3, %get3A_1, %broadcast_in_dim3A : vector<512x2048xi1>, vector<512x2048xf32>
    %swap3A = arith.constant 0 : index
    %swap3A_4 = arith.constant 0 : index
    %swap3A_5 = vector.load %arg3[%swap3A, %swap3A_4] : memref<512x2048xf32, #tpu.memory_space<vmem>>, vector<512x2048xf32>
    tpu.vector_store %arg3[%swap3A, %swap3A_4], %select_n3A {strides = array<i32>} : memref<512x2048xf32, #tpu.memory_space<vmem>>, vector<512x2048xf32>,
    return
  }
  func.func @transform_0(%arg0: i32) -> (i32, i32) {
    %add3A = arith.constant 8 : i32
    %add3A_0 = arith.addi %arg0, %add3A : i32
    %c0_i32 = arith.constant 0 : i32
    %c0_i32_1 = arith.constant 0 : i32
    return %add3A_0, %c0_i32 : i32, i32
  }
  func.func @transform_2(%arg0: i32) -> (i32, i32) {
    %add3A = arith.constant 8 : i32
    %add3A_0 = arith.addi %arg0, %add3A : i32
    %c0_i32 = arith.constant 0 : i32
    %c0_i32_1 = arith.constant 0 : i32
    return %add3A_0, %c0_i32 : i32, i32
  }
}

</mosaic_0001>

<sc_bundles>
// kernel: kernel.6.cloned.1.call-start
scs
__scs_entry_jumppad:
0x0: {  	(pc) =	sbr.rel $0x88, $3  }
0x1: {  	(tag) =	ssettag $0x0;
	lr =	simm.s32 $0x1  }
0x2: {  	[smem:$0x3F9F] =	sst lr;
	_ =	strace $0xD0000000  }
0x3: {  	_ = 	snop  }
0x4: {  	_ = 	snop  }
0x5: {  	_ = 	snop  }
0x6: {  	_ = 	snop  }
0x7: {  	_ = 	snop  }
__scs_overlays_trampoline_lowered:
0x8: {  	[smem:$0x3FAE] =	sst s0  }
0x9: {  	[smem:$0x3FAF] =	sst s1  }
0xa: {  	[smem:$0x3FB0] =	sst s2  }
0xb: {  	[smem:$0x3FB1] =	sst s3  }
0xc: {  	[smem:$0x3FB2] =	sst s4  }
0xd: {  	[smem:$0x3FB3] =	sst s5  }
0xe: {  	[smem:$0x3FB4] =	sst s6  }
0xf: {  	[smem:$0x3FB5] =	sst s7  }
0x10: {  	[smem:$0x3FB6] =	sst s8  }
0x11: {  	[smem:$0x3FB7] =	sst s9;
	s0 =	simm.s32 @!p0 $0x0  }
0x12: {  	s1 =	sld [smem:$0x3F9D];
	s0 =	simm.s32 @p0 $0x1  }
0x13: {  	[smem:$0x3FB8] =	sst s0;
	s0 =	simm.s32 @!p1 $0x0  }
0x14: {  	s2 =	sld [smem:$0x3F9C];
	s0 =	simm.s32 @p1 $0x1  }
0x15: {  	[smem:$0x3FB9] =	sst s0;
	s0 =	simm.s32 @!p2 $0x0  }
0x16: {  	s3 =	sld [smem:$0x3FDB];
	s0 =	simm.s32 @p2 $0x1  }
0x17: {  	s4 =	simm.s32 $0x1BF5;
	[smem:$0x3FBB] =	sst s0  }
0x18: {  	s0 =	sld [smem:$0x3F9E];
	_ =	swait.ge [sflag:s4], $0x0  }
0x19: {  	s7 =	sld [smem:$0x3F9F]  }
0x1a: {  	s8 =	sadd.s32 $0xFFFFE003, lr  }
0x1b: {  	s9 =	sadd.s32 $0xFFFFFEF7, lr;
	s5 =	simm.s32 $0xFFFFFFFF;
	p2 =	slt.u32 s8, $0xFFFFF086  }
0x1c: {  	p1 =	slt.u32 s9, $0xF7A;
	s5 =	simm.s32 @!p2 $0x0  }
0x1d: {  	s5 =	simm.s32 @p1 $0x1;
	p0 =	seq.s32 s7, s2  }
0x1e: {  	s7 =	smul.u32 @!p0 $0xF7A, s2;
	p2 =	seq.s32 @!p0 s5, $0x0  }
0x1f: {  	s9 =	smul.u32 $0xF7A, s1;
	s8 =	simm.s32 @!p0 $0x1BF5;
	p2 =	por !p2, p0  }
0x20: {  	[sflag:s8] =	ssyncset.s32 @!p0 $0xFFFFF086;
	s6 =	sadd.s32 @!p0 s3, s7;
	s7 =	simm.s32 @!p0 $0x108  }
0x21: {  	s3 =	sadd.s32 s3, s9;
	s6 =	sadd.s32 @!p0 $0x88, s6;
	s7 =	simm.s32 @p2 $0x1082  }
0x22: {  	[simem:s7], [sflag:s8] =	dma.local @!p0 [hbm:s6], $0xF7A  }
0x23: {  	s9 =	sor.u32 $0xD0000000, s2;
	s6 =	simm.s32 $0x108;
	_ =	swait.ge @!p0 [sflag:s8], $0x0  }
0x24: {  	s3 =	sadd.s32 $0x88, s3;
	s6 =	simm.s32 @!p1 $0x1082;
	[sflag:s4] =	ssyncset.s32 $0xFFFFF086  }
0x25: {  	[simem:s6], [sflag:s4] =	dma.local [hbm:s3], $0xF7A  }
0x26: {  	[smem:$0x3F9F] =	sst s1;
	(tag) =	ssettag s2;
	_ =	strace s9  }
0x27: {  	s1 =	sld [smem:$0x3FAF]  }
0x28: {  	s2 =	sld [smem:$0x3FB0]  }
0x29: {  	s4 =	sld [smem:$0x3FB2]  }
0x2a: {  	p0 =	seq.s32 s5, $0x0;
	s5 =	sld [smem:$0x3FB3]  }
0x2b: {  	s6 =	sld [smem:$0x3FB4]  }
0x2c: {  	s7 =	sld [smem:$0x3FB5]  }
0x2d: {  	s3 =	simm.s32 $0x108;
	s8 =	sld [smem:$0x3FB6]  }
0x2e: {  	s3 =	simm.s32 @!p0 $0x1082;
	s9 =	sld [smem:$0x3FB7]  }
0x2f: {  	lr =	sadd.s32 s0, s3;
	s0 =	sld [smem:$0x3FAE]  }
0x30: {  	s3 =	sld [smem:$0x3FB1]  }
0x31: {  	[smem:$0x3FBA] =	sst s10  }
0x32: {  	s10 =	sld [smem:$0x3FB8];
	_ =	sdelay $0x3  }
0x33: {  	p0 =	seq.s32 s10, $0x1;
	s10 =	sld [smem:$0x3FBA];
	_ =	sdelay $0x3  }
0x34: {  	[smem:$0x3FBA] =	sst s10  }
0x35: {  	s10 =	sld [smem:$0x3FB9];
	_ =	sdelay $0x3  }
0x36: {  	p1 =	seq.s32 s10, $0x1;
	s10 =	sld [smem:$0x3FBA];
	_ =	sdelay $0x3  }
0x37: {  	[smem:$0x3FBA] =	sst s10  }
0x38: {  	s10 =	sld [smem:$0x3FBB]  }
0x39: {  	_ = 	snop;
	(pc) =	sbr.ind lr, $3  }
0x3a: {  	_ = 	snop  }
0x3b: {  	_ = 	snop  }
0x3c: {  	p2 =	seq.s32 s10, $0x1;
	s10 =	sld [smem:$0x3FBA]  }
0x3d: {  	_ =	shalt  }
0x3e: {  	_ =	shalt  }
0x3f: {  	_ =	shalt  }
0x40: {  	_ =	shalt  }
0x41: {  	_ =	shalt  }
0x42: {  	_ =	shalt  }
0x43: {  	_ =	shalt  }
0x44: {  	_ =	shalt  }
0x45: {  	_ =	shalt  }
0x46: {  	_ =	shalt  }
0x47: {  	_ =	shalt  }
0x48: {  	_ =	shalt  }
0x49: {  	_ =	shalt  }
0x4a: {  	_ =	shalt  }
0x4b: {  	_ =	shalt  }
0x4c: {  	_ =	shalt  }
0x4d: {  	_ =	shalt  }
0x4e: {  	_ =	shalt  }
0x4f: {  	_ =	shalt  }
0x50: {  	_ =	shalt  }
0x51: {  	_ =	shalt  }
0x52: {  	_ =	shalt  }
0x53: {  	_ =	shalt  }
0x54: {  	_ =	shalt  }
0x55: {  	_ =	shalt  }
0x56: {  	_ =	shalt  }
0x57: {  	_ =	shalt  }
0x58: {  	_ =	shalt  }
0x59: {  	_ =	shalt  }
0x5a: {  	_ =	shalt  }
0x5b: {  	_ =	shalt  }
0x5c: {  	_ =	shalt  }
0x5d: {  	_ =	shalt  }
0x5e: {  	_ =	shalt  }
0x5f: {  	_ =	shalt  }
0x60: {  	_ =	shalt  }
0x61: {  	_ =	shalt  }
0x62: {  	_ =	shalt  }
0x63: {  	_ =	shalt  }
0x64: {  	_ =	shalt  }
0x65: {  	_ =	shalt  }
0x66: {  	_ =	shalt  }
0x67: {  	_ =	shalt  }
0x68: {  	_ =	shalt  }
0x69: {  	_ =	shalt  }
0x6a: {  	_ =	shalt  }
0x6b: {  	_ =	shalt  }
0x6c: {  	_ =	shalt  }
0x6d: {  	_ =	shalt  }
0x6e: {  	_ =	shalt  }
0x6f: {  	_ =	shalt  }
0x70: {  	_ =	shalt  }
0x71: {  	_ =	shalt  }
0x72: {  	_ =	shalt  }
0x73: {  	_ =	shalt  }
0x74: {  	_ =	shalt  }
0x75: {  	_ =	shalt  }
0x76: {  	_ =	shalt  }
0x77: {  	_ =	shalt  }
0x78: {  	_ =	shalt  }
0x79: {  	_ =	shalt  }
0x7a: {  	_ =	shalt  }
0x7b: {  	_ =	shalt  }
0x7c: {  	_ =	shalt  }
0x7d: {  	_ =	shalt  }
0x7e: {  	_ =	shalt  }
0x7f: {  	_ =	shalt  }
0x80: {  	_ =	shalt  }
0x81: {  	_ =	shalt  }
0x82: {  	_ =	shalt  }
0x83: {  	_ =	shalt  }
0x84: {  	_ =	shalt  }
0x85: {  	_ =	shalt  }
0x86: {  	_ =	shalt  }
0x87: {  	_ =	shalt  }
.Lfunc_end0:
.L_simem_size_0:
called_computation_lowered:
.L_overlay_start_0:
0x88: {  	s2 =	sld [smem:$0x3FD9]  }
0x89: {  	s3 =	sld [smem:$0x3FFE];
	_ =	sdelay $0x1  }
0x8a: {  	s1 =	srdreg.scid  }
0x8b: {  	s0 =	sand.u32 $0x1, s1  }
0x8c: {  	s17 =	sshll.u32 s0, $0xA;
	s2 =	sadd.s32 s3, s2  }
0x8d: {  	s2 =	sadd.s32 s2, s17  }
0x8e: {  	[smem:$0x3FC6] =	sst s2  }
0x8f: {  	_ = 	snop  }
0x90: {  	s2 =	sld [smem:$0x3FC9];
	(tm) =	ssettm $0x1  }
0x91: {  	s18 =	sld [smem:$0x3FFB];
	_ =	sdelay $0x3  }
0x92: {  	_ =	strace s18  }
0x93: {  	s3 =	sld [smem:$0x3FFC];
	_ =	sdelay $0x3  }
0x94: {  	_ =	strace s3  }
0x95: {  	s3 =	sld [smem:$0x3FFD];
	_ =	sdelay $0x3  }
0x96: {  	_ =	strace s3  }
0x97: {  	_ =	strace $0x8FFFFFFF  }
0x98: {  	s19 =	sld [smem:$0x3FDB];
	_ =	sdelay $0x1  }
0x99: {  	s4 =	simm.s32 $_scs_section_size  }
0x9a: {  	s5 =	simm.s32 $_size__tile_overlayer_lowered;
	s6 =	simm.s32 $_tile_overlayer_lowered  }
0x9b: {  	s22 =	simm.s32 $0x1BFF;
	s21 =	sshll.u32 s6, $0x1;
	s3 =	sadd.s32 s4, s19  }
0x9c: {  	s7 =	simm.s32 $0x0;
	s20 =	sshll.u32 s5, $0x1;
	s5 =	sadd.s32 s21, s3  }
0x9d: {  	[timem:s7], [sflag:s22] =	dma.local [hbm:s5], s20  }
0x9e: {  	_ =	swait.ge [sflag:s22], s20  }
0x9f: {  	s4 =	ssub.s32 $0x0, s20;
	[sflag:s22] =	ssyncset.done $0x0  }
0xa0: {  	[sflag:s22] =	ssyncadd.s32 s4;
	_ =	sdelay $0x1  }
0xa1: {  	s23 =	simm.s32 $0x1B8B  }
0xa2: {  	_ =	swait.ge [sflag:s23], $0x1  }
0xa3: {  	[sflag:s23] =	ssyncset.done $0x0  }
0xa4: {  	s25 =	simm.s32 $0x1B8E;
	s24 =	sld [smem:$0x3FFE];
	[sflag:s23] =	ssyncadd.s32 $0xFFFFFFFF  }
0xa5: {  	s26 =	simm.s32 $execute0_lowered;
	[smem:$0x3FD2] =	sst s25  }
0xa6: {  	s5 =	sshll.u32 s26, $0x1;
	_ =	strace $0x80000046;
	[dreg:$0x1] =	wrdreg $0xFFFFFFFF  }
0xa7: {  	s28 =	simm.s32 $_size_execute0_lowered;
	s3 =	sadd.s32 s3, s5;
	[dreg:$0x0] =	wrdreg $0x0  }
0xa8: {  	s5 =	sshll.u32 s28, $0x1;
	[dreg:$0x2] =	wrdreg s3  }
0xa9: {  	[dreg:$0x3] =	wrdreg s5  }
0xaa: {  	[dreg:$0x4] =	wrdreg $0xC0  }
0xab: {  	_ =	task [dreg:s7], $0x5FFFF  }
0xac: {  	[dreg:$0x1] =	wrdreg $0xFFFFFFFF  }
0xad: {  	[dreg:$0x0] =	wrdreg $0x60  }
0xae: {  	[dreg:$0x2] =	wrdreg s2  }
0xaf: {  	[dreg:$0x3] =	wrdreg s24  }
0xb0: {  	[dreg:$0x4] =	wrdreg $0x9  }
0xb1: {  	_ =	task.clear_ibuf [dreg:s7], $0x5FFFF;
	_ =	strace $0x90000046  }
0xb2: {  	s29 =	simm.s32 $0x9;
	_ =	strace $0x80000048  }
0xb3: {  	_ =	swait.ge [sflag:s29], $0x1  }
0xb4: {  	[sflag:s29] =	ssyncadd.s32 $0xFFFFFFFF  }
0xb5: {  	_ =	strace $0x90000048  }
0xb6: {  	_ =	sfence  }
0xb7: {  	s30 =	sld [smem:$0x0];
	_ =	sdelay $0x2  }
0xb8: {  	s31 =	sshll.u32 s1, $0xD;
	s1 =	sshrl.u32 s1, $0x2  }
0xb9: {  	s3 =	sand.u32 $0x4000, s31;
	s1 =	sadd.s32 s1, s30  }
0xba: {  	s0 =	sor.u32 s3, s0;
	s1 =	sshll.u32 s1, $0x11  }
0xbb: {  	s0 =	sor.u32 s1, s0  }
0xbc: {  	s0 =	sadd.s32 $0x8F2B, s0  }
0xbd: {  	[sflag:s0] =	ssyncadd.remote.s32 $0x1  }
0xbe: {  	_ =	sfence.sel $0xFFFF  }
0xbf: {  	[dreg:$0x0] =	wrdreg $0xFFFFFFFF;
	(pc) =	sbr.abs _section_cstart, $3  }
0xc0: {  	[dreg:$0x1] =	wrdreg $0xFFFFFFFF  }
0xc1: {  	_ =	task.clear_ibuf [dreg:s7], $0x2FFFF;
	_ =	strace $0x9FFFFFFF  }
0xc2: {  	(tm) =	ssettm $0x7FFFFFFF  }
0xc3: {  	_ =	shalt  }
tec
execute0_lowered:
.L_overlay_start_1:
0x0: {  	(tag) =	ssettag $0x1  }
0x1: {  	s2 =	rddreg [dreg:$0x0]  }
0x2: {  	s7 =	rddreg [dreg:$0x1]  }
0x3: {  	s0 =	rddreg [dreg:$0x2];
	s4 =	srdreg.scid  }
0x4: {  	s1 =	stileid.u32;
	s3 =	simm.s32 $0x0;
	s10 =	simm.s32 $0x1  }
0x5: {  	s11 =	simm.s32 $0x8000;
	s12 =	simm.s32 $0x2;
	s13 =	simm.s32 $0x80  }
0x6: {  	s14 =	simm.s32 $0x400;
	s4 =	sand.u32 $0x1, s4;
	s5 =	sshll.u32 s1, $0x1  }
0x7: {  	s15 =	simm.s32 $0x3;
	[smem:$0x7FF] =	sst s3;
	s5 =	sor.u32 s4, s5  }
0x8: {  	s4 =	ssub.s32 $0x2, s4;
	s6 =	sshll.u32 s5, $0x10;
	s8 =	sshll.u32 s5, $0x7  }
0x9: {  	_ =	strace $0x80000047;
	s9 =	sshrl.u32 s4, $0x1;
	s8 =	sor.u32 s8, s6  }
0xa: {  	s9 =	ssub.s32 s4, s9;
	s4 =	sshll.u32 s5, $0x8;
	s8 =	sand.u32 $0x180380, s8  }
0xb: {  	s5 =	sadd.s32 s2, s6;
	s6 =	sor.u32 $0x10, s4;
	s8 =	sshrl.u32 s8, $0x3  }
0xc: {  	v0 =	vimm.s32 $0x0;
	v1 =	vimm.s32 $0x1;
	s7 =	sadd.s32 s7, s8;
	s8 =	smax.u32 s9, $0x1;
	s9 =	simm.s32 $0x4000  }
.LBB2_1:
0xd: {  	s16 =	simm.s32 $0x8040  }
0xe: {  	[tilespmem:s16+$0xFFFFFFC0] =	vst v0  }
0xf: {  	[tilespmem:s16+$0x30] =	vst v0  }
0x10: {  	[tilespmem:s16+$0x20] =	vst v0  }
0x11: {  	[tilespmem:s16+$0x10] =	vst v0  }
0x12: {  	[tilespmem:s16+$0x0] =	vst v0  }
0x13: {  	[tilespmem:s16+$0xFFFFFFF0] =	vst v0  }
0x14: {  	s17 =	simm.s32 $0x0;
	[tilespmem:s16+$0xFFFFFFE0] =	vst v0  }
.LBB2_2:
0x15: {  	s17 =	sadd.s32 $0x8, s17;
	[tilespmem:s16+$0xFFFFFFD0] =	vst v0;
	s16 =	sadd.s32 $0x80, s16  }
0x16: {  	[tilespmem:s16+$0xFFFFFFC0] =	vst v0;
	p0 =	slt.u32 s17, $0xFF8  }
0x17: {  	[tilespmem:s16+$0x30] =	vst v0  }
.Ltmp0:
0x18: {  	[tilespmem:s16+$0x20] =	vst v0;
	(pc) =	sbr.rel @p0 .LBB2_2-.Ltmp0, $4  }
0x19: {  	[tilespmem:s16+$0x10] =	vst v0  }
0x1a: {  	[tilespmem:s16+$0x0] =	vst v0  }
0x1b: {  	[tilespmem:s16+$0xFFFFFFF0] =	vst v0  }
0x1c: {  	[tilespmem:s16+$0xFFFFFFE0] =	vst v0  }
0x1d: {  	[tilespmem:s16+$0xFFFFFFD0] =	vst v0;
	s16 =	simm.s32 $0x0;
	s17 =	simm.s32 $0x0  }
0x1e: {  	[tilespmem:s16], [sflag:$0x1] =	stream.linear.gather [hbm4b:s5+s16], $0x4000, $0x38;
	[tilespmem:$0x18000] =	vst v63  }
.LBB2_4:
0x1f: {  	s18 =	sshll.u32 s17, $0x4  }
0x20: {  	s19 =	sadd.s32 s18, s4  }
0x21: {  	s19 =	sshll.u32 s19, $0x8  }
0x22: {  	s19 =	sadd.s32 s2, s19  }
0x23: {  	s19 =	sadd.s32 $0x800, s19  }
0x24: {  	[tilespmem:s9], [sflag:$0x2] =	stream.linear.gather [hbm4b:s19+s16], $0x4000, $0x38;
	[tilespmem:$0x18000] =	vst v63  }
0x25: {  	_ =	swait.ge [sflag:s10], $0x4000  }
0x26: {  	s26 =	sand.u32 $0x60, s16;
	s20 =	sand.u32 $0x3C00, s16;
	[sflag:s10] =	ssyncset.done $0x0  }
0x27: {  	s22 =	sor.u32 s26, s20;
	[sflag:s10] =	ssyncadd.s32 $0xFFFFC000  }
0x28: {  	v2 =	vld [tilespmem:s22+$0x10]  }
0x29: {  	v3 =	vld [tilespmem:s22+$0x0];
	_ =	sdelay $0x3  }
0x2a: {  	vm0 =	vlt.f32 v2, $9.990000120e-01  }
0x2b: {  	v2 =	vshrl.u32 v2, $0x10;
	vm1 =	vlt.f32 v3, $9.990000120e-01  }
0x2c: {  	v3 =	vshrl.u32 v3, $0x10;
	_ =	sdelay $0x3  }
0x2d: {  	[tilespmem:v2+s11+$0x0] =	vst.idx.add.s32.msk vm0, v1  }
0x2e: {  	[tilespmem:v3+s11+$0x0] =	vst.idx.add.s32.msk vm1, v1  }
0x2f: {  	v2 =	vld [tilespmem:s22+$0x90]  }
0x30: {  	v3 =	vld [tilespmem:s22+$0x80];
	_ =	sdelay $0x3  }
0x31: {  	vm0 =	vlt.f32 v2, $9.990000120e-01  }
0x32: {  	v2 =	vshrl.u32 v2, $0x10;
	vm1 =	vlt.f32 v3, $9.990000120e-01  }
0x33: {  	v3 =	vshrl.u32 v3, $0x10;
	_ =	sdelay $0x3  }
0x34: {  	[tilespmem:v2+s11+$0x0] =	vst.idx.add.s32.msk vm0, v1  }
0x35: {  	[tilespmem:v3+s11+$0x0] =	vst.idx.add.s32.msk vm1, v1  }
0x36: {  	v2 =	vld [tilespmem:s22+$0x110]  }
0x37: {  	v3 =	vld [tilespmem:s22+$0x100];
	_ =	sdelay $0x3  }
0x38: {  	s28 =	simm.s32 $0x20;
	s19 =	simm.s32 $0x100;
	vm0 =	vlt.f32 v2, $9.990000120e-01  }
0x39: {  	s20 =	sand.u32 $0x60, s28;
	s21 =	sand.u32 $0x3C00, s19;
	v2 =	vshrl.u32 v2, $0x10;
	vm1 =	vlt.f32 v3, $9.990000120e-01  }
0x3a: {  	s20 =	sor.u32 s20, s21;
	v3 =	vshrl.u32 v3, $0x10  }
0x3b: {  	v4 =	vld [tilespmem:s20+$0x10];
	_ =	sdelay $0x1  }
0x3c: {  	v5 =	vld [tilespmem:s20+$0x0]  }
0x3d: {  	[tilespmem:v2+s11+$0x0] =	vst.idx.add.s32.msk vm0, v1  }
0x3e: {  	[tilespmem:v3+s11+$0x0] =	vst.idx.add.s32.msk vm1, v1  }
0x3f: {  	vm0 =	vlt.f32 v4, $9.990000120e-01;
	v2 =	vld [tilespmem:s22+$0x190]  }
0x40: {  	v3 =	vshrl.u32 v4, $0x10;
	v4 =	vld [tilespmem:s22+$0x180];
	_ =	sdelay $0x1  }
0x41: {  	vm1 =	vlt.f32 v5, $9.990000120e-01  }
0x42: {  	v5 =	vshrl.u32 v5, $0x10  }
0x43: {  	vm2 =	vlt.f32 v2, $9.990000120e-01  }
0x44: {  	v2 =	vshrl.u32 v2, $0x10;
	[tilespmem:v3+s11+$0x0] =	vst.idx.add.s32.msk vm0, v1;
	vm0 =	vlt.f32 v4, $9.990000120e-01  }
0x45: {  	v3 =	vshrl.u32 v4, $0x10  }
0x46: {  	v4 =	vld [tilespmem:s20+$0x90]  }
0x47: {  	[tilespmem:v5+s11+$0x0] =	vst.idx.add.s32.msk vm1, v1  }
0x48: {  	v5 =	vld [tilespmem:s20+$0x80]  }
0x49: {  	[tilespmem:v2+s11+$0x0] =	vst.idx.add.s32.msk vm2, v1  }
0x4a: {  	[tilespmem:v3+s11+$0x0] =	vst.idx.add.s32.msk vm0, v1  }
0x4b: {  	vm1 =	vlt.f32 v4, $9.990000120e-01;
	v2 =	vld [tilespmem:s22+$0x210]  }
0x4c: {  	v3 =	vshrl.u32 v4, $0x10;
	v4 =	vld [tilespmem:s22+$0x200];
	_ =	sdelay $0x1  }
0x4d: {  	vm0 =	vlt.f32 v5, $9.990000120e-01  }
0x4e: {  	v5 =	vshrl.u32 v5, $0x10  }
0x4f: {  	vm2 =	vlt.f32 v2, $9.990000120e-01  }
0x50: {  	v2 =	vshrl.u32 v2, $0x10;
	[tilespmem:v3+s11+$0x0] =	vst.idx.add.s32.msk vm1, v1;
	vm1 =	vlt.f32 v4, $9.990000120e-01  }
0x51: {  	v3 =	vshrl.u32 v4, $0x10  }
0x52: {  	v4 =	vld [tilespmem:s20+$0x110]  }
0x53: {  	[tilespmem:v5+s11+$0x0] =	vst.idx.add.s32.msk vm0, v1  }
0x54: {  	v5 =	vld [tilespmem:s20+$0x100]  }
0x55: {  	[tilespmem:v2+s11+$0x0] =	vst.idx.add.s32.msk vm2, v1  }
0x56: {  	[tilespmem:v3+s11+$0x0] =	vst.idx.add.s32.msk vm1, v1  }
0x57: {  	vm0 =	vlt.f32 v4, $9.990000120e-01;
	v2 =	vld [tilespmem:s22+$0x290]  }
0x58: {  	s23 =	simm.s32 $0x40;
	s21 =	simm.s32 $0x200;
	v3 =	vshrl.u32 v4, $0x10;
	v4 =	vld [tilespmem:s22+$0x280]  }
0x59: {  	s23 =	sand.u32 $0x60, s23;
	s24 =	sand.u32 $0x3C00, s21  }
0x5a: {  	vm1 =	vlt.f32 v5, $9.990000120e-01;
	s22 =	sor.u32 s23, s24  }
0x5b: {  	v5 =	vshrl.u32 v5, $0x10;
	v6 =	vld [tilespmem:s22+$0x10]  }
0x5c: {  	v7 =	vld [tilespmem:s22+$0x0];
	vm2 =	vlt.f32 v2, $9.990000120e-01  }
0x5d: {  	v2 =	vshrl.u32 v2, $0x10;
	[tilespmem:v3+s11+$0x0] =	vst.idx.add.s32.msk vm0, v1;
	vm0 =	vlt.f32 v4, $9.990000120e-01  }
0x5e: {  	v3 =	vshrl.u32 v4, $0x10  }
0x5f: {  	s29 =	sand.u32 $0x3, s16;
	v4 =	vld [tilespmem:s20+$0x190]  }
0x60: {  	s23 =	sshll.u32 s29, $0x5;
	[tilespmem:v5+s11+$0x0] =	vst.idx.add.s32.msk vm1, v1;
	vm3 =	vlt.f32 v6, $9.990000120e-01  }
0x61: {  	s23 =	sadd.s32 $0x0, s23;
	v5 =	vshrl.u32 v6, $0x10;
	v6 =	vld [tilespmem:s20+$0x180]  }
0x62: {  	s30 =	sadd.s32 $0x10, s23;
	vm1 =	vlt.f32 v7, $9.990000120e-01;
	[tilespmem:v2+s11+$0x0] =	vst.idx.add.s32.msk vm2, v1  }
0x63: {  	s25 =	sor.u32 $0x300, s30;
	v2 =	vshrl.u32 v7, $0x10;
	[tilespmem:v3+s11+$0x0] =	vst.idx.add.s32.msk vm0, v1  }
0x64: {  	s31 =	sor.u32 $0x300, s23;
	vm2 =	vlt.f32 v4, $9.990000120e-01;
	v7 =	vld [tilespmem:s25+$0x0]  }
0x65: {  	v3 =	vshrl.u32 v4, $0x10;
	v4 =	vld [tilespmem:s31+$0x0]  }
0x66: {  	[tilespmem:v5+s11+$0x0] =	vst.idx.add.s32.msk vm3, v1  }
0x67: {  	vm0 =	vlt.f32 v6, $9.990000120e-01;
	v5 =	vshrl.u32 v6, $0x10;
	v6 =	vld [tilespmem:s22+$0x90]  }
0x68: {  	[tilespmem:v2+s11+$0x0] =	vst.idx.add.s32.msk vm1, v1  }
0x69: {  	vm1 =	vlt.f32 v7, $9.990000120e-01;
	v2 =	vld [tilespmem:s22+$0x80]  }
0x6a: {  	v7 =	vshrl.u32 v7, $0x10;
	[tilespmem:v3+s11+$0x0] =	vst.idx.add.s32.msk vm2, v1;
	vm2 =	vlt.f32 v4, $9.990000120e-01  }
0x6b: {  	v3 =	vshrl.u32 v4, $0x10;
	v4 =	vld [tilespmem:s20+$0x210];
	_ =	sdelay $0x1  }
0x6c: {  	[tilespmem:v5+s11+$0x0] =	vst.idx.add.s32.msk vm0, v1;
	vm3 =	vlt.f32 v6, $9.990000120e-01  }
0x6d: {  	v5 =	vshrl.u32 v6, $0x10;
	v6 =	vld [tilespmem:s20+$0x200]  }
0x6e: {  	vm0 =	vlt.f32 v2, $9.990000120e-01;
	[tilespmem:v7+s11+$0x0] =	vst.idx.add.s32.msk vm1, v1  }
0x6f: {  	s24 =	sor.u32 $0x380, s30;
	v2 =	vshrl.u32 v2, $0x10;
	vm1 =	vlt.f32 v4, $9.990000120e-01;
	[tilespmem:v3+s11+$0x0] =	vst.idx.add.s32.msk vm2, v1  }
0x70: {  	s23 =	sor.u32 $0x380, s23;
	v3 =	vshrl.u32 v4, $0x10;
	v7 =	vld [tilespmem:s24+$0x0]  }
0x71: {  	v8 =	vld [tilespmem:s23+$0x0]  }
0x72: {  	[tilespmem:v5+s11+$0x0] =	vst.idx.add.s32.msk vm3, v1  }
0x73: {  	vm3 =	vlt.f32 v6, $9.990000120e-01;
	v5 =	vld [tilespmem:s22+$0x110]  }
0x74: {  	v9 =	vshrl.u32 v6, $0x10;
	[tilespmem:v2+s11+$0x0] =	vst.idx.add.s32.msk vm0, v1  }
0x75: {  	[tilespmem:v3+s11+$0x0] =	vst.idx.add.s32.msk vm1, v1;
	vm1 =	vlt.f32 v7, $9.990000120e-01  }
0x76: {  	v6 =	vld [tilespmem:s22+$0x100];
	v3 =	vshrl.u32 v7, $0x10;
	_ =	sdelay $0x1  }
0x77: {  	s26 =	simm.s32 $0x60;
	vm0 =	vlt.f32 v8, $9.990000120e-01;
	v4 =	vld [tilespmem:s20+$0x290]  }
0x78: {  	s25 =	simm.s32 $0x300;
	s24 =	simm.s32 $0x4;
	s23 =	simm.s32 $0x0;
	v2 =	vshrl.u32 v8, $0x10;
	vm2 =	vlt.f32 v5, $9.990000120e-01;
	[tilespmem:v9+s11+$0x0] =	vst.idx.add.s32.msk vm3, v1  }
.LBB2_5:
0x79: {  	s28 =	sand.u32 $0x60, s26;
	s29 =	sand.u32 $0x3C00, s25;
	s24 =	sadd.s32 $0x2, s24;
	v5 =	vshrl.u32 v5, $0x10;
	v7 =	vld [tilespmem:s20+$0x280]  }
0x7a: {  	s20 =	smov.u32 s22;
	p0 =	slt.u32 s24, $0x7E;
	vm3 =	vlt.f32 v6, $9.990000120e-01;
	v6 =	vshrl.u32 v6, $0x10;
	[tilespmem:v3+s11+$0x0] =	vst.idx.add.s32.msk vm1, v1;
	s22 =	sor.u32 s28, s29  }
0x7b: {  	v3 =	vld [tilespmem:s22+$0x10]  }
0x7c: {  	v8 =	vld [tilespmem:s22+$0x0];
	vm1 =	vlt.f32 v4, $9.990000120e-01  }
0x7d: {  	s23 =	sadd.s32 $0x1, s23;
	v4 =	vshrl.u32 v4, $0x10;
	[tilespmem:v2+s11+$0x0] =	vst.idx.add.s32.msk vm0, v1  }
0x7e: {  	s28 =	sand.u32 $0x3, s23;
	[tilespmem:v5+s11+$0x0] =	vst.idx.add.s32.msk vm2, v1;
	vm0 =	vlt.f32 v7, $9.990000120e-01;
	v2 =	vshrl.u32 v7, $0x10  }
0x7f: {  	s28 =	sshll.u32 s28, $0x5;
	v5 =	vld [tilespmem:s20+$0x190]  }
0x80: {  	s28 =	sadd.s32 s28, s19;
	s19 =	smov.u32 s21;
	s21 =	smov.u32 s25;
	vm2 =	vlt.f32 v3, $9.990000120e-01;
	[tilespmem:v6+s11+$0x0] =	vst.idx.add.s32.msk vm3, v1  }
0x81: {  	s29 =	sor.u32 $0x300, s28;
	s30 =	sor.u32 $0x380, s28;
	s28 =	sadd.s32 $0x10, s28;
	v3 =	vshrl.u32 v3, $0x10;
	vm3 =	vlt.f32 v8, $9.990000120e-01;
	v6 =	vshrl.u32 v8, $0x10;
	v7 =	vld [tilespmem:s20+$0x180]  }
0x82: {  	s31 =	sor.u32 $0x300, s28;
	[tilespmem:v4+s11+$0x0] =	vst.idx.add.s32.msk vm1, v1  }
0x83: {  	v4 =	vld [tilespmem:s31+$0x0]  }
0x84: {  	vm1 =	vlt.f32 v5, $9.990000120e-01;
	[tilespmem:v2+s11+$0x0] =	vst.idx.add.s32.msk vm0, v1  }
0x85: {  	v2 =	vshrl.u32 v5, $0x10;
	v5 =	vld [tilespmem:s29+$0x0]  }
0x86: {  	[tilespmem:v3+s11+$0x0] =	vst.idx.add.s32.msk vm2, v1;
	vm0 =	vlt.f32 v7, $9.990000120e-01;
	v3 =	vshrl.u32 v7, $0x10  }
0x87: {  	v7 =	vld [tilespmem:s22+$0x90]  }
0x88: {  	[tilespmem:v6+s11+$0x0] =	vst.idx.add.s32.msk vm3, v1;
	vm2 =	vlt.f32 v4, $9.990000120e-01  }
0x89: {  	v4 =	vshrl.u32 v4, $0x10;
	v6 =	vld [tilespmem:s22+$0x80]  }
0x8a: {  	[tilespmem:v2+s11+$0x0] =	vst.idx.add.s32.msk vm1, v1;
	vm1 =	vlt.f32 v5, $9.990000120e-01;
	v2 =	vshrl.u32 v5, $0x10  }
0x8b: {  	v5 =	vld [tilespmem:s20+$0x210]  }
0x8c: {  	vm3 =	vlt.f32 v7, $9.990000120e-01;
	[tilespmem:v3+s11+$0x0] =	vst.idx.add.s32.msk vm0, v1  }
0x8d: {  	v3 =	vshrl.u32 v7, $0x10;
	v7 =	vld [tilespmem:s20+$0x200]  }
0x8e: {  	s28 =	sor.u32 $0x380, s28;
	vm0 =	vlt.f32 v6, $9.990000120e-01;
	v6 =	vshrl.u32 v6, $0x10;
	[tilespmem:v4+s11+$0x0] =	vst.idx.add.s32.msk vm2, v1  }
0x8f: {  	v4 =	vld [tilespmem:s28+$0x0]  }
0x90: {  	vm2 =	vlt.f32 v5, $9.990000120e-01;
	[tilespmem:v2+s11+$0x0] =	vst.idx.add.s32.msk vm1, v1  }
0x91: {  	v2 =	vshrl.u32 v5, $0x10;
	v8 =	vld [tilespmem:s30+$0x0]  }
0x92: {  	[tilespmem:v3+s11+$0x0] =	vst.idx.add.s32.msk vm3, v1;
	vm3 =	vlt.f32 v7, $9.990000120e-01;
	v7 =	vshrl.u32 v7, $0x10  }
0x93: {  	v5 =	vld [tilespmem:s22+$0x110]  }
.Ltmp1:
0x94: {  	[tilespmem:v6+s11+$0x0] =	vst.idx.add.s32.msk vm0, v1;
	vm1 =	vlt.f32 v4, $9.990000120e-01;
	(pc) =	sbr.rel @p0 .LBB2_5-.Ltmp1, $4  }
0x95: {  	v3 =	vshrl.u32 v4, $0x10;
	v6 =	vld [tilespmem:s22+$0x100]  }
0x96: {  	[tilespmem:v2+s11+$0x0] =	vst.idx.add.s32.msk vm2, v1;
	vm0 =	vlt.f32 v8, $9.990000120e-01;
	v2 =	vshrl.u32 v8, $0x10  }
0x97: {  	v4 =	vld [tilespmem:s20+$0x290]  }
0x98: {  	s26 =	sadd.s32 $0x20, s26;
	s25 =	sadd.s32 $0x100, s25;
	vm2 =	vlt.f32 v5, $9.990000120e-01;
	[tilespmem:v7+s11+$0x0] =	vst.idx.add.s32.msk vm3, v1  }
0x99: {  	v5 =	vshrl.u32 v5, $0x10  }
0x9a: {  	vm3 =	vlt.f32 v6, $9.990000120e-01  }
0x9b: {  	v6 =	vshrl.u32 v6, $0x10;
	_ =	sdelay $0x2  }
0x9c: {  	[tilespmem:v5+s11+$0x0] =	vst.idx.add.s32.msk vm2, v1  }
0x9d: {  	v5 =	vld [tilespmem:s22+$0x190]  }
0x9e: {  	[tilespmem:v6+s11+$0x0] =	vst.idx.add.s32.msk vm3, v1  }
0x9f: {  	v6 =	vld [tilespmem:s22+$0x180];
	_ =	sdelay $0x2  }
0xa0: {  	vm2 =	vlt.f32 v5, $9.990000120e-01  }
0xa1: {  	v5 =	vshrl.u32 v5, $0x10  }
0xa2: {  	vm3 =	vlt.f32 v6, $9.990000120e-01  }
0xa3: {  	v6 =	vshrl.u32 v6, $0x10;
	_ =	sdelay $0x2  }
0xa4: {  	[tilespmem:v5+s11+$0x0] =	vst.idx.add.s32.msk vm2, v1  }
0xa5: {  	v5 =	vld [tilespmem:s22+$0x210]  }
0xa6: {  	[tilespmem:v6+s11+$0x0] =	vst.idx.add.s32.msk vm3, v1  }
0xa7: {  	v6 =	vld [tilespmem:s22+$0x200];
	_ =	sdelay $0x2  }
0xa8: {  	vm2 =	vlt.f32 v5, $9.990000120e-01  }
0xa9: {  	v5 =	vshrl.u32 v5, $0x10  }
0xaa: {  	vm3 =	vlt.f32 v6, $9.990000120e-01  }
0xab: {  	v6 =	vshrl.u32 v6, $0x10;
	_ =	sdelay $0x1  }
0xac: {  	v7 =	vld [tilespmem:s20+$0x280]  }
0xad: {  	[tilespmem:v5+s11+$0x0] =	vst.idx.add.s32.msk vm2, v1  }
0xae: {  	v5 =	vld [tilespmem:s22+$0x290]  }
0xaf: {  	vm2 =	vlt.f32 v4, $9.990000120e-01;
	[tilespmem:v6+s11+$0x0] =	vst.idx.add.s32.msk vm3, v1  }
0xb0: {  	s28 =	sadd.s32 $0x1, s23;
	v4 =	vshrl.u32 v4, $0x10;
	v6 =	vld [tilespmem:s22+$0x280]  }
0xb1: {  	s29 =	sand.u32 $0x3, s28;
	vm3 =	vlt.f32 v7, $9.990000120e-01  }
0xb2: {  	v7 =	vshrl.u32 v7, $0x10;
	s22 =	sshll.u32 s29, $0x5  }
0xb3: {  	s19 =	sadd.s32 s22, s19;
	vm4 =	vlt.f32 v5, $9.990000120e-01  }
0xb4: {  	s20 =	sadd.s32 $0x1, s28;
	s22 =	sadd.s32 $0x10, s19;
	v5 =	vshrl.u32 v5, $0x10  }
0xb5: {  	s20 =	sand.u32 $0x3, s20;
	[tilespmem:v4+s11+$0x0] =	vst.idx.add.s32.msk vm2, v1;
	s30 =	sor.u32 $0x300, s22;
	vm2 =	vlt.f32 v6, $9.990000120e-01  }
0xb6: {  	s20 =	sshll.u32 s20, $0x5;
	v4 =	vld [tilespmem:s30+$0x0];
	v6 =	vshrl.u32 v6, $0x10  }
0xb7: {  	s20 =	sadd.s32 s20, s21;
	s31 =	sor.u32 $0x300, s19;
	[tilespmem:v7+s11+$0x0] =	vst.idx.add.s32.msk vm3, v1  }
0xb8: {  	s21 =	sadd.s32 $0x10, s20;
	v7 =	vld [tilespmem:s31+$0x0]  }
0xb9: {  	s24 =	sor.u32 $0x300, s21;
	[tilespmem:v5+s11+$0x0] =	vst.idx.add.s32.msk vm4, v1  }
0xba: {  	v5 =	vld [tilespmem:s24+$0x0]  }
0xbb: {  	s25 =	sor.u32 $0x300, s20;
	vm3 =	vlt.f32 v4, $9.990000120e-01;
	[tilespmem:v6+s11+$0x0] =	vst.idx.add.s32.msk vm2, v1  }
0xbc: {  	v4 =	vshrl.u32 v4, $0x10;
	v6 =	vld [tilespmem:s25+$0x0]  }
0xbd: {  	vm2 =	vlt.f32 v7, $9.990000120e-01  }
0xbe: {  	v7 =	vshrl.u32 v7, $0x10  }
0xbf: {  	vm14 =	vlt.f32 v5, $9.990000120e-01  }
0xc0: {  	v5 =	vshrl.u32 v5, $0x10  }
0xc1: {  	s22 =	sor.u32 $0x380, s22;
	[tilespmem:v4+s11+$0x0] =	vst.idx.add.s32.msk vm3, v1;
	vm3 =	vlt.f32 v6, $9.990000120e-01  }
0xc2: {  	v4 =	vld [tilespmem:s22+$0x0];
	v6 =	vshrl.u32 v6, $0x10  }
0xc3: {  	s19 =	sor.u32 $0x380, s19;
	[tilespmem:v7+s11+$0x0] =	vst.idx.add.s32.msk vm2, v1  }
0xc4: {  	v7 =	vld [tilespmem:s19+$0x0]  }
0xc5: {  	s26 =	sor.u32 $0x380, s21;
	[tilespmem:v5+s11+$0x0] =	vst.idx.add.s32.msk vm14, v1  }
0xc6: {  	v5 =	vld [tilespmem:s26+$0x0]  }
0xc7: {  	s28 =	sor.u32 $0x380, s20;
	[tilespmem:v6+s11+$0x0] =	vst.idx.add.s32.msk vm3, v1  }
0xc8: {  	v6 =	vld [tilespmem:s28+$0x0];
	_ =	sdelay $0x1  }
0xc9: {  	vm2 =	vlt.f32 v4, $9.990000120e-01  }
0xca: {  	v4 =	vshrl.u32 v4, $0x10;
	vm3 =	vlt.f32 v7, $9.990000120e-01  }
0xcb: {  	v7 =	vshrl.u32 v7, $0x10;
	vm15 =	vlt.f32 v5, $9.990000120e-01  }
0xcc: {  	v5 =	vshrl.u32 v5, $0x10;
	vm5 =	vlt.f32 v6, $9.990000120e-01  }
0xcd: {  	[tilespmem:v3+s11+$0x0] =	vst.idx.add.s32.msk vm1, v1;
	v3 =	vshrl.u32 v6, $0x10  }
0xce: {  	[tilespmem:v2+s11+$0x0] =	vst.idx.add.s32.msk vm0, v1  }
0xcf: {  	p0 =	seq.s32 s17, $0xF;
	[tilespmem:v4+s11+$0x0] =	vst.idx.add.s32.msk vm2, v1  }
0xd0: {  	s18 =	sadd.s32 @!p0 s18, s6;
	[tilespmem:v7+s11+$0x0] =	vst.idx.add.s32.msk vm3, v1  }
0xd1: {  	s18 =	sshll.u32 @!p0 s18, $0x8;
	[tilespmem:v5+s11+$0x0] =	vst.idx.add.s32.msk vm15, v1  }
0xd2: {  	s18 =	sadd.s32 @!p0 s2, s18;
	s19 =	simm.s32 @!p0 $0x0;
	[tilespmem:v3+s11+$0x0] =	vst.idx.add.s32.msk vm5, v1  }
0xd3: {  	[tilespmem:s19], [sflag:$0x1] =	stream.linear.gather @!p0 [hbm4b:s18+s19], $0x4000, $0x38;
	[tilespmem:$0x18000] =	vst v63  }
0xd4: {  	s18 =	simm.s32 $0x0;
	_ =	swait.ge [sflag:s12], $0x4000  }
0xd5: {  	s29 =	sand.u32 $0x60, s18;
	s30 =	sand.u32 $0x3C00, s18;
	[sflag:s12] =	ssyncset.done $0x0  }
0xd6: {  	s31 =	sor.u32 s29, s30;
	[sflag:s12] =	ssyncadd.s32 $0xFFFFC000  }
0xd7: {  	v2 =	vld [tilespmem:s31+$0x4010]  }
0xd8: {  	v3 =	vld [tilespmem:s31+$0x4000];
	_ =	sdelay $0x3  }
0xd9: {  	vm0 =	vlt.f32 v2, $9.990000120e-01  }
0xda: {  	v2 =	vshrl.u32 v2, $0x10;
	vm1 =	vlt.f32 v3, $9.990000120e-01  }
0xdb: {  	v3 =	vshrl.u32 v3, $0x10;
	_ =	sdelay $0x3  }
0xdc: {  	[tilespmem:v2+s11+$0x0] =	vst.idx.add.s32.msk vm0, v1  }
0xdd: {  	[tilespmem:v3+s11+$0x0] =	vst.idx.add.s32.msk vm1, v1  }
0xde: {  	v2 =	vld [tilespmem:s31+$0x4090]  }
0xdf: {  	v3 =	vld [tilespmem:s31+$0x4080];
	_ =	sdelay $0x3  }
0xe0: {  	vm0 =	vlt.f32 v2, $9.990000120e-01  }
0xe1: {  	v2 =	vshrl.u32 v2, $0x10;
	vm1 =	vlt.f32 v3, $9.990000120e-01  }
0xe2: {  	v3 =	vshrl.u32 v3, $0x10;
	_ =	sdelay $0x3  }
0xe3: {  	[tilespmem:v2+s11+$0x0] =	vst.idx.add.s32.msk vm0, v1  }
0xe4: {  	[tilespmem:v3+s11+$0x0] =	vst.idx.add.s32.msk vm1, v1  }
0xe5: {  	v2 =	vld [tilespmem:s31+$0x4110]  }
0xe6: {  	v3 =	vld [tilespmem:s31+$0x4100];
	_ =	sdelay $0x3  }
0xe7: {  	s25 =	simm.s32 $0x20;
	s19 =	simm.s32 $0x100;
	vm0 =	vlt.f32 v2, $9.990000120e-01  }
0xe8: {  	s20 =	sand.u32 $0x60, s25;
	s26 =	sand.u32 $0x3C00, s19;
	v2 =	vshrl.u32 v2, $0x10;
	vm1 =	vlt.f32 v3, $9.990000120e-01  }
0xe9: {  	s20 =	sor.u32 s20, s26;
	v3 =	vshrl.u32 v3, $0x10  }
0xea: {  	v4 =	vld [tilespmem:s20+$0x4010];
	_ =	sdelay $0x1  }
0xeb: {  	v5 =	vld [tilespmem:s20+$0x4000]  }
0xec: {  	[tilespmem:v2+s11+$0x0] =	vst.idx.add.s32.msk vm0, v1  }
0xed: {  	[tilespmem:v3+s11+$0x0] =	vst.idx.add.s32.msk vm1, v1  }
0xee: {  	vm0 =	vlt.f32 v4, $9.990000120e-01;
	v2 =	vld [tilespmem:s31+$0x4190]  }
0xef: {  	v3 =	vshrl.u32 v4, $0x10;
	v4 =	vld [tilespmem:s31+$0x4180];
	_ =	sdelay $0x1  }
0xf0: {  	vm1 =	vlt.f32 v5, $9.990000120e-01  }
0xf1: {  	v5 =	vshrl.u32 v5, $0x10  }
0xf2: {  	vm2 =	vlt.f32 v2, $9.990000120e-01  }
0xf3: {  	v2 =	vshrl.u32 v2, $0x10;
	[tilespmem:v3+s11+$0x0] =	vst.idx.add.s32.msk vm0, v1;
	vm0 =	vlt.f32 v4, $9.990000120e-01  }
0xf4: {  	v3 =	vshrl.u32 v4, $0x10  }
0xf5: {  	v4 =	vld [tilespmem:s20+$0x4090]  }
0xf6: {  	[tilespmem:v5+s11+$0x0] =	vst.idx.add.s32.msk vm1, v1  }
0xf7: {  	v5 =	vld [tilespmem:s20+$0x4080]  }
0xf8: {  	[tilespmem:v2+s11+$0x0] =	vst.idx.add.s32.msk vm2, v1  }
0xf9: {  	[tilespmem:v3+s11+$0x0] =	vst.idx.add.s32.msk vm0, v1  }
0xfa: {  	vm1 =	vlt.f32 v4, $9.990000120e-01;
	v2 =	vld [tilespmem:s31+$0x4210]  }
0xfb: {  	v3 =	vshrl.u32 v4, $0x10;
	v4 =	vld [tilespmem:s31+$0x4200];
	_ =	sdelay $0x1  }
0xfc: {  	vm0 =	vlt.f32 v5, $9.990000120e-01  }
0xfd: {  	v5 =	vshrl.u32 v5, $0x10  }
0xfe: {  	vm2 =	vlt.f32 v2, $9.990000120e-01  }
0xff: {  	v2 =	vshrl.u32 v2, $0x10;
	[tilespmem:v3+s11+$0x0] =	vst.idx.add.s32.msk vm1, v1;
	vm1 =	vlt.f32 v4, $9.990000120e-01  }
0x100: {  	v3 =	vshrl.u32 v4, $0x10  }
0x101: {  	v4 =	vld [tilespmem:s20+$0x4110]  }
0x102: {  	[tilespmem:v5+s11+$0x0] =	vst.idx.add.s32.msk vm0, v1  }
0x103: {  	v5 =	vld [tilespmem:s20+$0x4100]  }
0x104: {  	[tilespmem:v2+s11+$0x0] =	vst.idx.add.s32.msk vm2, v1  }
0x105: {  	[tilespmem:v3+s11+$0x0] =	vst.idx.add.s32.msk vm1, v1  }
0x106: {  	vm0 =	vlt.f32 v4, $9.990000120e-01;
	v2 =	vld [tilespmem:s31+$0x4290]  }
0x107: {  	s21 =	simm.s32 $0x200;
	s28 =	simm.s32 $0x40;
	v3 =	vshrl.u32 v4, $0x10;
	v4 =	vld [tilespmem:s31+$0x4280]  }
0x108: {  	s24 =	sand.u32 $0x3C00, s21;
	s23 =	sand.u32 $0x60, s28  }
0x109: {  	s22 =	sor.u32 s23, s24;
	vm1 =	vlt.f32 v5, $9.990000120e-01  }
0x10a: {  	v6 =	vld [tilespmem:s22+$0x4010];
	v5 =	vshrl.u32 v5, $0x10  }
0x10b: {  	v7 =	vld [tilespmem:s22+$0x4000];
	vm2 =	vlt.f32 v2, $9.990000120e-01  }
0x10c: {  	v2 =	vshrl.u32 v2, $0x10;
	[tilespmem:v3+s11+$0x0] =	vst.idx.add.s32.msk vm0, v1;
	vm0 =	vlt.f32 v4, $9.990000120e-01  }
0x10d: {  	v3 =	vshrl.u32 v4, $0x10  }
0x10e: {  	s29 =	sand.u32 $0x3, s18;
	v4 =	vld [tilespmem:s20+$0x4190]  }
0x10f: {  	s23 =	sshll.u32 s29, $0x5;
	vm3 =	vlt.f32 v6, $9.990000120e-01;
	[tilespmem:v5+s11+$0x0] =	vst.idx.add.s32.msk vm1, v1  }
0x110: {  	s23 =	sadd.s32 $0x0, s23;
	v5 =	vshrl.u32 v6, $0x10;
	v6 =	vld [tilespmem:s20+$0x4180]  }
0x111: {  	s30 =	sadd.s32 $0x10, s23;
	vm1 =	vlt.f32 v7, $9.990000120e-01;
	[tilespmem:v2+s11+$0x0] =	vst.idx.add.s32.msk vm2, v1  }
0x112: {  	s25 =	sor.u32 $0x300, s30;
	v2 =	vshrl.u32 v7, $0x10;
	[tilespmem:v3+s11+$0x0] =	vst.idx.add.s32.msk vm0, v1  }
0x113: {  	s31 =	sor.u32 $0x300, s23;
	vm2 =	vlt.f32 v4, $9.990000120e-01;
	v7 =	vld [tilespmem:s25+$0x4000]  }
0x114: {  	v3 =	vshrl.u32 v4, $0x10;
	v4 =	vld [tilespmem:s31+$0x4000]  }
0x115: {  	[tilespmem:v5+s11+$0x0] =	vst.idx.add.s32.msk vm3, v1  }
0x116: {  	vm0 =	vlt.f32 v6, $9.990000120e-01;
	v5 =	vshrl.u32 v6, $0x10;
	v6 =	vld [tilespmem:s22+$0x4090]  }
0x117: {  	[tilespmem:v2+s11+$0x0] =	vst.idx.add.s32.msk vm1, v1  }
0x118: {  	vm1 =	vlt.f32 v7, $9.990000120e-01;
	v2 =	vld [tilespmem:s22+$0x4080]  }
0x119: {  	v7 =	vshrl.u32 v7, $0x10;
	[tilespmem:v3+s11+$0x0] =	vst.idx.add.s32.msk vm2, v1;
	vm2 =	vlt.f32 v4, $9.990000120e-01  }
0x11a: {  	v3 =	vshrl.u32 v4, $0x10;
	v4 =	vld [tilespmem:s20+$0x4210]  }
0x11b: {  	vm3 =	vlt.f32 v6, $9.990000120e-01  }
0x11c: {  	[tilespmem:v5+s11+$0x0] =	vst.idx.add.s32.msk vm0, v1;
	v5 =	vshrl.u32 v6, $0x10  }
0x11d: {  	v6 =	vld [tilespmem:s20+$0x4200]  }
0x11e: {  	vm0 =	vlt.f32 v2, $9.990000120e-01;
	[tilespmem:v7+s11+$0x0] =	vst.idx.add.s32.msk vm1, v1  }
0x11f: {  	s24 =	sor.u32 $0x380, s30;
	v2 =	vshrl.u32 v2, $0x10;
	vm1 =	vlt.f32 v4, $9.990000120e-01;
	[tilespmem:v3+s11+$0x0] =	vst.idx.add.s32.msk vm2, v1  }
0x120: {  	v3 =	vshrl.u32 v4, $0x10;
	v7 =	vld [tilespmem:s24+$0x4000]  }
0x121: {  	[tilespmem:v5+s11+$0x0] =	vst.idx.add.s32.msk vm3, v1  }
0x122: {  	s23 =	sor.u32 $0x380, s23;
	v5 =	vld [tilespmem:s22+$0x4110]  }
0x123: {  	vm3 =	vlt.f32 v6, $9.990000120e-01;
	v8 =	vld [tilespmem:s23+$0x4000]  }
0x124: {  	v9 =	vshrl.u32 v6, $0x10;
	[tilespmem:v2+s11+$0x0] =	vst.idx.add.s32.msk vm0, v1  }
0x125: {  	[tilespmem:v3+s11+$0x0] =	vst.idx.add.s32.msk vm1, v1;
	vm1 =	vlt.f32 v7, $9.990000120e-01  }
0x126: {  	v6 =	vld [tilespmem:s22+$0x4100];
	v3 =	vshrl.u32 v7, $0x10;
	_ =	sdelay $0x1  }
0x127: {  	vm0 =	vlt.f32 v8, $9.990000120e-01;
	v4 =	vld [tilespmem:s20+$0x4290]  }
0x128: {  	s25 =	simm.s32 $0x60;
	s23 =	simm.s32 $0x4;
	s24 =	simm.s32 $0x300;
	vm2 =	vlt.f32 v5, $9.990000120e-01;
	v2 =	vshrl.u32 v8, $0x10;
	[tilespmem:v9+s11+$0x0] =	vst.idx.add.s32.msk vm3, v1  }
.LBB2_7:
0x129: {  	s26 =	sand.u32 $0x60, s25;
	s28 =	sand.u32 $0x3C00, s24;
	s23 =	sadd.s32 $0x2, s23;
	v5 =	vshrl.u32 v5, $0x10;
	v7 =	vld [tilespmem:s20+$0x4280]  }
0x12a: {  	s20 =	smov.u32 s22;
	p0 =	slt.u32 s23, $0x7E;
	vm3 =	vlt.f32 v6, $9.990000120e-01;
	v6 =	vshrl.u32 v6, $0x10;
	[tilespmem:v3+s11+$0x0] =	vst.idx.add.s32.msk vm1, v1;
	s22 =	sor.u32 s26, s28  }
0x12b: {  	v3 =	vld [tilespmem:s22+$0x4010]  }
0x12c: {  	v8 =	vld [tilespmem:s22+$0x4000];
	vm1 =	vlt.f32 v4, $9.990000120e-01  }
0x12d: {  	s18 =	sadd.s32 $0x1, s18;
	v4 =	vshrl.u32 v4, $0x10;
	[tilespmem:v2+s11+$0x0] =	vst.idx.add.s32.msk vm0, v1  }
0x12e: {  	s26 =	sand.u32 $0x3, s18;
	[tilespmem:v5+s11+$0x0] =	vst.idx.add.s32.msk vm2, v1;
	vm0 =	vlt.f32 v7, $9.990000120e-01;
	v2 =	vshrl.u32 v7, $0x10  }
0x12f: {  	s26 =	sshll.u32 s26, $0x5;
	v5 =	vld [tilespmem:s20+$0x4190]  }
0x130: {  	s26 =	sadd.s32 s26, s19;
	s19 =	smov.u32 s21;
	s21 =	smov.u32 s24;
	vm2 =	vlt.f32 v3, $9.990000120e-01;
	[tilespmem:v6+s11+$0x0] =	vst.idx.add.s32.msk vm3, v1  }
0x131: {  	s28 =	sor.u32 $0x300, s26;
	s29 =	sor.u32 $0x380, s26;
	s26 =	sadd.s32 $0x10, s26;
	v3 =	vshrl.u32 v3, $0x10;
	vm3 =	vlt.f32 v8, $9.990000120e-01;
	v6 =	vshrl.u32 v8, $0x10;
	v7 =	vld [tilespmem:s20+$0x4180]  }
0x132: {  	s30 =	sor.u32 $0x300, s26;
	[tilespmem:v4+s11+$0x0] =	vst.idx.add.s32.msk vm1, v1  }
0x133: {  	v4 =	vld [tilespmem:s30+$0x4000]  }
0x134: {  	vm1 =	vlt.f32 v5, $9.990000120e-01;
	[tilespmem:v2+s11+$0x0] =	vst.idx.add.s32.msk vm0, v1  }
0x135: {  	v2 =	vshrl.u32 v5, $0x10;
	v5 =	vld [tilespmem:s28+$0x4000]  }
0x136: {  	[tilespmem:v3+s11+$0x0] =	vst.idx.add.s32.msk vm2, v1;
	vm0 =	vlt.f32 v7, $9.990000120e-01;
	v3 =	vshrl.u32 v7, $0x10  }
0x137: {  	v7 =	vld [tilespmem:s22+$0x4090]  }
0x138: {  	[tilespmem:v6+s11+$0x0] =	vst.idx.add.s32.msk vm3, v1;
	vm2 =	vlt.f32 v4, $9.990000120e-01  }
0x139: {  	v4 =	vshrl.u32 v4, $0x10;
	v6 =	vld [tilespmem:s22+$0x4080]  }
0x13a: {  	[tilespmem:v2+s11+$0x0] =	vst.idx.add.s32.msk vm1, v1;
	vm1 =	vlt.f32 v5, $9.990000120e-01;
	v2 =	vshrl.u32 v5, $0x10  }
0x13b: {  	v5 =	vld [tilespmem:s20+$0x4210]  }
0x13c: {  	vm3 =	vlt.f32 v7, $9.990000120e-01;
	[tilespmem:v3+s11+$0x0] =	vst.idx.add.s32.msk vm0, v1  }
0x13d: {  	v3 =	vshrl.u32 v7, $0x10;
	v7 =	vld [tilespmem:s20+$0x4200]  }
0x13e: {  	s26 =	sor.u32 $0x380, s26;
	vm0 =	vlt.f32 v6, $9.990000120e-01;
	v6 =	vshrl.u32 v6, $0x10;
	[tilespmem:v4+s11+$0x0] =	vst.idx.add.s32.msk vm2, v1  }
0x13f: {  	v4 =	vld [tilespmem:s26+$0x4000]  }
0x140: {  	vm2 =	vlt.f32 v5, $9.990000120e-01;
	[tilespmem:v2+s11+$0x0] =	vst.idx.add.s32.msk vm1, v1  }
0x141: {  	v2 =	vshrl.u32 v5, $0x10;
	v8 =	vld [tilespmem:s29+$0x4000]  }
0x142: {  	[tilespmem:v3+s11+$0x0] =	vst.idx.add.s32.msk vm3, v1;
	vm3 =	vlt.f32 v7, $9.990000120e-01;
	v7 =	vshrl.u32 v7, $0x10  }
0x143: {  	v5 =	vld [tilespmem:s22+$0x4110]  }
.Ltmp2:
0x144: {  	[tilespmem:v6+s11+$0x0] =	vst.idx.add.s32.msk vm0, v1;
	vm1 =	vlt.f32 v4, $9.990000120e-01;
	(pc) =	sbr.rel @p0 .LBB2_7-.Ltmp2, $4  }
0x145: {  	v3 =	vshrl.u32 v4, $0x10;
	v6 =	vld [tilespmem:s22+$0x4100]  }
0x146: {  	[tilespmem:v2+s11+$0x0] =	vst.idx.add.s32.msk vm2, v1;
	vm0 =	vlt.f32 v8, $9.990000120e-01;
	v2 =	vshrl.u32 v8, $0x10  }
0x147: {  	v4 =	vld [tilespmem:s20+$0x4290]  }
0x148: {  	s25 =	sadd.s32 $0x20, s25;
	s24 =	sadd.s32 $0x100, s24;
	vm2 =	vlt.f32 v5, $9.990000120e-01;
	[tilespmem:v7+s11+$0x0] =	vst.idx.add.s32.msk vm3, v1  }
0x149: {  	v5 =	vshrl.u32 v5, $0x10  }
0x14a: {  	vm3 =	vlt.f32 v6, $9.990000120e-01  }
0x14b: {  	v62 =	vshrl.u32 v6, $0x10;
	_ =	sdelay $0x2  }
0x14c: {  	[tilespmem:v5+s11+$0x0] =	vst.idx.add.s32.msk vm2, v1  }
0x14d: {  	v5 =	vld [tilespmem:s22+$0x4190]  }
0x14e: {  	[tilespmem:v62+s11+$0x0] =	vst.idx.add.s32.msk vm3, v1  }
0x14f: {  	v6 =	vld [tilespmem:s22+$0x4180];
	_ =	sdelay $0x2  }
0x150: {  	vm10 =	vlt.f32 v5, $9.990000120e-01  }
0x151: {  	v5 =	vshrl.u32 v5, $0x10  }
0x152: {  	vm11 =	vlt.f32 v6, $9.990000120e-01  }
0x153: {  	v6 =	vshrl.u32 v6, $0x10;
	_ =	sdelay $0x2  }
0x154: {  	[tilespmem:v5+s11+$0x0] =	vst.idx.add.s32.msk vm10, v1  }
0x155: {  	v5 =	vld [tilespmem:s22+$0x4210]  }
0x156: {  	[tilespmem:v6+s11+$0x0] =	vst.idx.add.s32.msk vm11, v1  }
0x157: {  	v6 =	vld [tilespmem:s22+$0x4200];
	_ =	sdelay $0x2  }
0x158: {  	vm12 =	vlt.f32 v5, $9.990000120e-01  }
0x159: {  	v5 =	vshrl.u32 v5, $0x10  }
0x15a: {  	vm13 =	vlt.f32 v6, $9.990000120e-01  }
0x15b: {  	v6 =	vshrl.u32 v6, $0x10;
	_ =	sdelay $0x1  }
0x15c: {  	v7 =	vld [tilespmem:s20+$0x4280]  }
0x15d: {  	[tilespmem:v5+s11+$0x0] =	vst.idx.add.s32.msk vm12, v1  }
0x15e: {  	v5 =	vld [tilespmem:s22+$0x4290]  }
0x15f: {  	vm14 =	vlt.f32 v4, $9.990000120e-01;
	[tilespmem:v6+s11+$0x0] =	vst.idx.add.s32.msk vm13, v1  }
0x160: {  	s18 =	sadd.s32 $0x1, s18;
	v63 =	vshrl.u32 v4, $0x10;
	v6 =	vld [tilespmem:s22+$0x4280]  }
0x161: {  	s25 =	sand.u32 $0x3, s18;
	vm15 =	vlt.f32 v7, $9.990000120e-01  }
0x162: {  	s20 =	sshll.u32 s25, $0x5;
	v7 =	vshrl.u32 v7, $0x10  }
0x163: {  	s19 =	sadd.s32 s20, s19;
	vm4 =	vlt.f32 v5, $9.990000120e-01  }
0x164: {  	s18 =	sadd.s32 $0x1, s18;
	s20 =	sadd.s32 $0x10, s19;
	v5 =	vshrl.u32 v5, $0x10  }
0x165: {  	s18 =	sand.u32 $0x3, s18;
	s26 =	sor.u32 $0x300, s20;
	[tilespmem:v63+s11+$0x0] =	vst.idx.add.s32.msk vm14, v1;
	vm8 =	vlt.f32 v6, $9.990000120e-01  }
0x166: {  	s18 =	sshll.u32 s18, $0x5;
	v4 =	vld [tilespmem:s26+$0x4000];
	v6 =	vshrl.u32 v6, $0x10  }
0x167: {  	s28 =	sor.u32 $0x300, s19;
	s18 =	sadd.s32 s18, s21;
	[tilespmem:v7+s11+$0x0] =	vst.idx.add.s32.msk vm15, v1  }
0x168: {  	s21 =	sadd.s32 $0x10, s18;
	v7 =	vld [tilespmem:s28+$0x4000]  }
0x169: {  	s29 =	sor.u32 $0x300, s21;
	[tilespmem:v5+s11+$0x0] =	vst.idx.add.s32.msk vm4, v1  }
0x16a: {  	v5 =	vld [tilespmem:s29+$0x4000]  }
0x16b: {  	s30 =	sor.u32 $0x300, s18;
	vm9 =	vlt.f32 v4, $9.990000120e-01;
	[tilespmem:v6+s11+$0x0] =	vst.idx.add.s32.msk vm8, v1  }
0x16c: {  	v4 =	vshrl.u32 v4, $0x10;
	v6 =	vld [tilespmem:s30+$0x4000]  }
0x16d: {  	vm10 =	vlt.f32 v7, $9.990000120e-01  }
0x16e: {  	v7 =	vshrl.u32 v7, $0x10  }
0x16f: {  	vm11 =	vlt.f32 v5, $9.990000120e-01  }
0x170: {  	v5 =	vshrl.u32 v5, $0x10  }
0x171: {  	s20 =	sor.u32 $0x380, s20;
	[tilespmem:v4+s11+$0x0] =	vst.idx.add.s32.msk vm9, v1;
	vm12 =	vlt.f32 v6, $9.990000120e-01  }
0x172: {  	v4 =	vld [tilespmem:s20+$0x4000];
	v6 =	vshrl.u32 v6, $0x10  }
0x173: {  	s19 =	sor.u32 $0x380, s19;
	[tilespmem:v7+s11+$0x0] =	vst.idx.add.s32.msk vm10, v1  }
0x174: {  	v7 =	vld [tilespmem:s19+$0x4000]  }
0x175: {  	s31 =	sor.u32 $0x380, s21;
	[tilespmem:v5+s11+$0x0] =	vst.idx.add.s32.msk vm11, v1  }
0x176: {  	v5 =	vld [tilespmem:s31+$0x4000]  }
0x177: {  	s18 =	sor.u32 $0x380, s18;
	[tilespmem:v6+s11+$0x0] =	vst.idx.add.s32.msk vm12, v1  }
0x178: {  	v6 =	vld [tilespmem:s18+$0x4000];
	_ =	sdelay $0x1  }
0x179: {  	vm14 =	vlt.f32 v7, $9.990000120e-01  }
0x17a: {  	v7 =	vshrl.u32 v7, $0x10;
	vm13 =	vlt.f32 v4, $9.990000120e-01  }
0x17b: {  	v4 =	vshrl.u32 v4, $0x10;
	vm15 =	vlt.f32 v5, $9.990000120e-01  }
0x17c: {  	s17 =	sadd.s32 $0x1, s17;
	v5 =	vshrl.u32 v5, $0x10;
	vm5 =	vlt.f32 v6, $9.990000120e-01  }
0x17d: {  	[tilespmem:v3+s11+$0x0] =	vst.idx.add.s32.msk vm1, v1;
	p0 =	sne.s32 s17, $0x10;
	v3 =	vshrl.u32 v6, $0x10  }
.Ltmp3:
0x17e: {  	[tilespmem:v2+s11+$0x0] =	vst.idx.add.s32.msk vm0, v1;
	(pc) =	sbr.rel @p0 .LBB2_4-.Ltmp3, $4  }
0x17f: {  	[tilespmem:v7+s11+$0x0] =	vst.idx.add.s32.msk vm14, v1  }
0x180: {  	[tilespmem:v4+s11+$0x0] =	vst.idx.add.s32.msk vm13, v1  }
0x181: {  	[tilespmem:v5+s11+$0x0] =	vst.idx.add.s32.msk vm15, v1  }
0x182: {  	[tilespmem:v3+s11+$0x0] =	vst.idx.add.s32.msk vm5, v1  }
0x183: {  	s3 =	sadd.s32 $0x1, s3  }
0x184: {  	p0 =	sne.s32 s3, s8  }
.Ltmp4:
0x185: {  	_ = 	snop;
	(pc) =	sbr.rel @p0 .LBB2_1-.Ltmp4, $4  }
0x186: {  	[hbm4b:s7+s13] =	stream.strided.scatter [tilespmem:s11], [sflag:$0x3], $0x10000, s14, s13, $0x38;
	[tilespmem:$0x18000] =	vst v63  }
0x187: {  	_ =	swait.ge [sflag:s15], $0x10000  }
0x188: {  	[sflag:s15] =	ssyncset.done $0x0  }
0x189: {  	[sflag:s15] =	ssyncadd.s32 $0xFFFF0000  }
0x18a: {  	_ =	sfence.sel $0x180000  }
0x18b: {  	[bflag:$0x0] =	sbarrier.arrive $0xFFFF  }
0x18c: {  	p0 =	sne.s32 s1, $0x0;
	_ =	strace $0x90000047  }
0x18d: {  	s0 =	sadd.s32 @!p0 $0x100000, s0;
	[bflag:$0x2] =	sbarrier.arrive $0xFFFF  }
0x18e: {  	[sflag:s0] =	ssyncadd.tile.s32 @!p0 $0x1;
	_ =	shalt  }
.Lfunc_end2:
_tile_overlayer_lowered:
.L_overlay_start_2:
0x18f: {  	(tag) =	ssettag $0x2  }
0x190: {  	s0 =	rddreg [dreg:$0x0];
	s2 =	stileid.u32  }
0x191: {  	s1 =	rddreg [dreg:$0x1];
	p0 =	sne.s32 s2, $0x0  }
0x192: {  	s3 =	rddreg [dreg:$0x2];
	[bflag:$0x3] =	sbarrier.arrive $0xFFFF;
	s2 =	simm.s32 @!p0 $0x1C03  }
0x193: {  	[timem:s3], [sflag:s2] =	dma.local @!p0 [hbm:s0], s1  }
0x194: {  	s0 =	simm.s32 @!p0 $0x3  }
0x195: {  	_ =	swait.ge @!p0 [sflag:s0], s1  }
0x196: {  	s1 =	ssub.s32 @!p0 $0x0, s1;
	[sflag:s0] =	ssyncset.done @!p0 $0x0  }
0x197: {  	[sflag:s0] =	ssyncadd.s32 @!p0 s1  }
0x198: {  	[bflag:$0x3] =	sbarrier.arrive $0xFFFF  }
0x199: {  	_ =	shalt  }

// kernel: kernel.9.cloned.1.call-start
scs
__scs_entry_jumppad:
0x0: {  	(pc) =	sbr.rel $0x88, $3  }
0x1: {  	(tag) =	ssettag $0x0;
	lr =	simm.s32 $0x1  }
0x2: {  	[smem:$0x3F9F] =	sst lr;
	_ =	strace $0xD0000000  }
0x3: {  	_ = 	snop  }
0x4: {  	_ = 	snop  }
0x5: {  	_ = 	snop  }
0x6: {  	_ = 	snop  }
0x7: {  	_ = 	snop  }
__scs_overlays_trampoline_lowered:
0x8: {  	[smem:$0x3FAE] =	sst s0  }
0x9: {  	[smem:$0x3FAF] =	sst s1  }
0xa: {  	[smem:$0x3FB0] =	sst s2  }
0xb: {  	[smem:$0x3FB1] =	sst s3  }
0xc: {  	[smem:$0x3FB2] =	sst s4  }
0xd: {  	[smem:$0x3FB3] =	sst s5  }
0xe: {  	[smem:$0x3FB4] =	sst s6  }
0xf: {  	[smem:$0x3FB5] =	sst s7  }
0x10: {  	[smem:$0x3FB6] =	sst s8  }
0x11: {  	[smem:$0x3FB7] =	sst s9;
	s0 =	simm.s32 @!p0 $0x0  }
0x12: {  	s1 =	sld [smem:$0x3F9D];
	s0 =	simm.s32 @p0 $0x1  }
0x13: {  	[smem:$0x3FB8] =	sst s0;
	s0 =	simm.s32 @!p1 $0x0  }
0x14: {  	s2 =	sld [smem:$0x3F9C];
	s0 =	simm.s32 @p1 $0x1  }
0x15: {  	[smem:$0x3FB9] =	sst s0;
	s0 =	simm.s32 @!p2 $0x0  }
0x16: {  	s3 =	sld [smem:$0x3FDB];
	s0 =	simm.s32 @p2 $0x1  }
0x17: {  	s4 =	simm.s32 $0x1BF5;
	[smem:$0x3FBB] =	sst s0  }
0x18: {  	s0 =	sld [smem:$0x3F9E];
	_ =	swait.ge [sflag:s4], $0x0  }
0x19: {  	s7 =	sld [smem:$0x3F9F]  }
0x1a: {  	s8 =	sadd.s32 $0xFFFFE003, lr  }
0x1b: {  	s9 =	sadd.s32 $0xFFFFFEF7, lr;
	s5 =	simm.s32 $0xFFFFFFFF;
	p2 =	slt.u32 s8, $0xFFFFF086  }
0x1c: {  	p1 =	slt.u32 s9, $0xF7A;
	s5 =	simm.s32 @!p2 $0x0  }
0x1d: {  	s5 =	simm.s32 @p1 $0x1;
	p0 =	seq.s32 s7, s2  }
0x1e: {  	s7 =	smul.u32 @!p0 $0xF7A, s2;
	p2 =	seq.s32 @!p0 s5, $0x0  }
0x1f: {  	s9 =	smul.u32 $0xF7A, s1;
	s8 =	simm.s32 @!p0 $0x1BF5;
	p2 =	por !p2, p0  }
0x20: {  	[sflag:s8] =	ssyncset.s32 @!p0 $0xFFFFF086;
	s6 =	sadd.s32 @!p0 s3, s7;
	s7 =	simm.s32 @!p0 $0x108  }
0x21: {  	s3 =	sadd.s32 s3, s9;
	s6 =	sadd.s32 @!p0 $0x88, s6;
	s7 =	simm.s32 @p2 $0x1082  }
0x22: {  	[simem:s7], [sflag:s8] =	dma.local @!p0 [hbm:s6], $0xF7A  }
0x23: {  	s9 =	sor.u32 $0xD0000000, s2;
	s6 =	simm.s32 $0x108;
	_ =	swait.ge @!p0 [sflag:s8], $0x0  }
0x24: {  	s3 =	sadd.s32 $0x88, s3;
	s6 =	simm.s32 @!p1 $0x1082;
	[sflag:s4] =	ssyncset.s32 $0xFFFFF086  }
0x25: {  	[simem:s6], [sflag:s4] =	dma.local [hbm:s3], $0xF7A  }
0x26: {  	[smem:$0x3F9F] =	sst s1;
	(tag) =	ssettag s2;
	_ =	strace s9  }
0x27: {  	s1 =	sld [smem:$0x3FAF]  }
0x28: {  	s2 =	sld [smem:$0x3FB0]  }
0x29: {  	s4 =	sld [smem:$0x3FB2]  }
0x2a: {  	p0 =	seq.s32 s5, $0x0;
	s5 =	sld [smem:$0x3FB3]  }
0x2b: {  	s6 =	sld [smem:$0x3FB4]  }
0x2c: {  	s7 =	sld [smem:$0x3FB5]  }
0x2d: {  	s3 =	simm.s32 $0x108;
	s8 =	sld [smem:$0x3FB6]  }
0x2e: {  	s3 =	simm.s32 @!p0 $0x1082;
	s9 =	sld [smem:$0x3FB7]  }
0x2f: {  	lr =	sadd.s32 s0, s3;
	s0 =	sld [smem:$0x3FAE]  }
0x30: {  	s3 =	sld [smem:$0x3FB1]  }
0x31: {  	[smem:$0x3FBA] =	sst s10  }
0x32: {  	s10 =	sld [smem:$0x3FB8];
	_ =	sdelay $0x3  }
0x33: {  	p0 =	seq.s32 s10, $0x1;
	s10 =	sld [smem:$0x3FBA];
	_ =	sdelay $0x3  }
0x34: {  	[smem:$0x3FBA] =	sst s10  }
0x35: {  	s10 =	sld [smem:$0x3FB9];
	_ =	sdelay $0x3  }
0x36: {  	p1 =	seq.s32 s10, $0x1;
	s10 =	sld [smem:$0x3FBA];
	_ =	sdelay $0x3  }
0x37: {  	[smem:$0x3FBA] =	sst s10  }
0x38: {  	s10 =	sld [smem:$0x3FBB]  }
0x39: {  	_ = 	snop;
	(pc) =	sbr.ind lr, $3  }
0x3a: {  	_ = 	snop  }
0x3b: {  	_ = 	snop  }
0x3c: {  	p2 =	seq.s32 s10, $0x1;
	s10 =	sld [smem:$0x3FBA]  }
0x3d: {  	_ =	shalt  }
0x3e: {  	_ =	shalt  }
0x3f: {  	_ =	shalt  }
0x40: {  	_ =	shalt  }
0x41: {  	_ =	shalt  }
0x42: {  	_ =	shalt  }
0x43: {  	_ =	shalt  }
0x44: {  	_ =	shalt  }
0x45: {  	_ =	shalt  }
0x46: {  	_ =	shalt  }
0x47: {  	_ =	shalt  }
0x48: {  	_ =	shalt  }
0x49: {  	_ =	shalt  }
0x4a: {  	_ =	shalt  }
0x4b: {  	_ =	shalt  }
0x4c: {  	_ =	shalt  }
0x4d: {  	_ =	shalt  }
0x4e: {  	_ =	shalt  }
0x4f: {  	_ =	shalt  }
0x50: {  	_ =	shalt  }
0x51: {  	_ =	shalt  }
0x52: {  	_ =	shalt  }
0x53: {  	_ =	shalt  }
0x54: {  	_ =	shalt  }
0x55: {  	_ =	shalt  }
0x56: {  	_ =	shalt  }
0x57: {  	_ =	shalt  }
0x58: {  	_ =	shalt  }
0x59: {  	_ =	shalt  }
0x5a: {  	_ =	shalt  }
0x5b: {  	_ =	shalt  }
0x5c: {  	_ =	shalt  }
0x5d: {  	_ =	shalt  }
0x5e: {  	_ =	shalt  }
0x5f: {  	_ =	shalt  }
0x60: {  	_ =	shalt  }
0x61: {  	_ =	shalt  }
0x62: {  	_ =	shalt  }
0x63: {  	_ =	shalt  }
0x64: {  	_ =	shalt  }
0x65: {  	_ =	shalt  }
0x66: {  	_ =	shalt  }
0x67: {  	_ =	shalt  }
0x68: {  	_ =	shalt  }
0x69: {  	_ =	shalt  }
0x6a: {  	_ =	shalt  }
0x6b: {  	_ =	shalt  }
0x6c: {  	_ =	shalt  }
0x6d: {  	_ =	shalt  }
0x6e: {  	_ =	shalt  }
0x6f: {  	_ =	shalt  }
0x70: {  	_ =	shalt  }
0x71: {  	_ =	shalt  }
0x72: {  	_ =	shalt  }
0x73: {  	_ =	shalt  }
0x74: {  	_ =	shalt  }
0x75: {  	_ =	shalt  }
0x76: {  	_ =	shalt  }
0x77: {  	_ =	shalt  }
0x78: {  	_ =	shalt  }
0x79: {  	_ =	shalt  }
0x7a: {  	_ =	shalt  }
0x7b: {  	_ =	shalt  }
0x7c: {  	_ =	shalt  }
0x7d: {  	_ =	shalt  }
0x7e: {  	_ =	shalt  }
0x7f: {  	_ =	shalt  }
0x80: {  	_ =	shalt  }
0x81: {  	_ =	shalt  }
0x82: {  	_ =	shalt  }
0x83: {  	_ =	shalt  }
0x84: {  	_ =	shalt  }
0x85: {  	_ =	shalt  }
0x86: {  	_ =	shalt  }
0x87: {  	_ =	shalt  }
.Lfunc_end0:
.L_simem_size_0:
called_computation.1_lowered:
.L_overlay_start_0:
0x88: {  	s2 =	sld [smem:$0x3FD9]  }
0x89: {  	s3 =	sld [smem:$0x3FFE];
	_ =	sdelay $0x1  }
0x8a: {  	s1 =	srdreg.scid  }
0x8b: {  	s0 =	sand.u32 $0x1, s1  }
0x8c: {  	s17 =	sshll.u32 s0, $0xA;
	s2 =	sadd.s32 s3, s2  }
0x8d: {  	s2 =	sadd.s32 s2, s17  }
0x8e: {  	[smem:$0x3FC6] =	sst s2  }
0x8f: {  	_ = 	snop  }
0x90: {  	s2 =	sld [smem:$0x3FC9];
	(tm) =	ssettm $0x1  }
0x91: {  	s18 =	sld [smem:$0x3FFB];
	_ =	sdelay $0x3  }
0x92: {  	_ =	strace s18  }
0x93: {  	s3 =	sld [smem:$0x3FFC];
	_ =	sdelay $0x3  }
0x94: {  	_ =	strace s3  }
0x95: {  	s3 =	sld [smem:$0x3FFD];
	_ =	sdelay $0x3  }
0x96: {  	_ =	strace s3  }
0x97: {  	_ =	strace $0x8FFFFFFF  }
0x98: {  	s19 =	sld [smem:$0x3FDB];
	_ =	sdelay $0x1  }
0x99: {  	s4 =	simm.s32 $_scs_section_size  }
0x9a: {  	s5 =	simm.s32 $_size__tile_overlayer_lowered;
	s6 =	simm.s32 $_tile_overlayer_lowered  }
0x9b: {  	s22 =	simm.s32 $0x1BFF;
	s21 =	sshll.u32 s6, $0x1;
	s3 =	sadd.s32 s4, s19  }
0x9c: {  	s7 =	simm.s32 $0x0;
	s20 =	sshll.u32 s5, $0x1;
	s5 =	sadd.s32 s21, s3  }
0x9d: {  	[timem:s7], [sflag:s22] =	dma.local [hbm:s5], s20  }
0x9e: {  	_ =	swait.ge [sflag:s22], s20  }
0x9f: {  	s4 =	ssub.s32 $0x0, s20;
	[sflag:s22] =	ssyncset.done $0x0  }
0xa0: {  	[sflag:s22] =	ssyncadd.s32 s4;
	_ =	sdelay $0x1  }
0xa1: {  	s23 =	simm.s32 $0x1B8B  }
0xa2: {  	_ =	swait.ge [sflag:s23], $0x1  }
0xa3: {  	[sflag:s23] =	ssyncset.done $0x0  }
0xa4: {  	s25 =	simm.s32 $0x1B8E;
	s24 =	sld [smem:$0x3FFE];
	[sflag:s23] =	ssyncadd.s32 $0xFFFFFFFF  }
0xa5: {  	s26 =	simm.s32 $execute0_lowered;
	[smem:$0x3FD2] =	sst s25  }
0xa6: {  	s5 =	sshll.u32 s26, $0x1;
	_ =	strace $0x80000049;
	[dreg:$0x1] =	wrdreg $0xFFFFFFFF  }
0xa7: {  	s28 =	simm.s32 $_size_execute0_lowered;
	s3 =	sadd.s32 s3, s5;
	[dreg:$0x0] =	wrdreg $0x0  }
0xa8: {  	s5 =	sshll.u32 s28, $0x1;
	[dreg:$0x2] =	wrdreg s3  }
0xa9: {  	[dreg:$0x3] =	wrdreg s5  }
0xaa: {  	[dreg:$0x4] =	wrdreg $0xC0  }
0xab: {  	_ =	task [dreg:s7], $0x5FFFF  }
0xac: {  	[dreg:$0x1] =	wrdreg $0xFFFFFFFF  }
0xad: {  	[dreg:$0x0] =	wrdreg $0x60  }
0xae: {  	[dreg:$0x2] =	wrdreg s2  }
0xaf: {  	[dreg:$0x3] =	wrdreg s24  }
0xb0: {  	[dreg:$0x4] =	wrdreg $0x9  }
0xb1: {  	_ =	task.clear_ibuf [dreg:s7], $0x5FFFF;
	_ =	strace $0x90000049  }
0xb2: {  	s29 =	simm.s32 $0x9;
	_ =	strace $0x8000004B  }
0xb3: {  	_ =	swait.ge [sflag:s29], $0x1  }
0xb4: {  	[sflag:s29] =	ssyncadd.s32 $0xFFFFFFFF  }
0xb5: {  	_ =	strace $0x9000004B  }
0xb6: {  	_ =	sfence  }
0xb7: {  	s30 =	sld [smem:$0x0];
	_ =	sdelay $0x2  }
0xb8: {  	s31 =	sshll.u32 s1, $0xD;
	s1 =	sshrl.u32 s1, $0x2  }
0xb9: {  	s3 =	sand.u32 $0x4000, s31;
	s1 =	sadd.s32 s1, s30  }
0xba: {  	s0 =	sor.u32 s3, s0;
	s1 =	sshll.u32 s1, $0x11  }
0xbb: {  	s0 =	sor.u32 s1, s0  }
0xbc: {  	s0 =	sadd.s32 $0x8F2B, s0  }
0xbd: {  	[sflag:s0] =	ssyncadd.remote.s32 $0x1  }
0xbe: {  	_ =	sfence.sel $0xFFFF  }
0xbf: {  	[dreg:$0x0] =	wrdreg $0xFFFFFFFF;
	(pc) =	sbr.abs _section_cstart, $3  }
0xc0: {  	[dreg:$0x1] =	wrdreg $0xFFFFFFFF  }
0xc1: {  	_ =	task.clear_ibuf [dreg:s7], $0x2FFFF;
	_ =	strace $0x9FFFFFFF  }
0xc2: {  	(tm) =	ssettm $0x7FFFFFFF  }
0xc3: {  	_ =	shalt  }
tec
execute0_lowered:
.L_overlay_start_1:
0x0: {  	(tag) =	ssettag $0x1  }
0x1: {  	s1 =	srdreg.scid  }
0x2: {  	s0 =	stileid.u32;
	s2 =	rddreg [dreg:$0x0]  }
0x3: {  	s6 =	rddreg [dreg:$0x1];
	s3 =	simm.s32 $0x0;
	s11 =	simm.s32 $0x3  }
0x4: {  	s12 =	simm.s32 $0x4000;
	s13 =	simm.s32 $0x1;
	s14 =	simm.s32 $0x8100  }
0x5: {  	s15 =	simm.s32 $0x2;
	s4 =	sand.u32 $0x1, s1;
	s30 =	sshll.u32 s0, $0x1  }
0x6: {  	s16 =	simm.s32 $0x80;
	s17 =	simm.s32 $0x400;
	s5 =	sor.u32 s4, s30  }
0x7: {  	s18 =	simm.s32 $0x0;
	s7 =	sshll.u32 s5, $0x10;
	s8 =	sshll.u32 s5, $0x7  }
0x8: {  	[smem:$0x7FF] =	sst s3;
	s9 =	ssub.s32 $0x2, s4;
	s8 =	sor.u32 s8, s7  }
0x9: {  	_ =	strace $0x8000004A;
	s31 =	sshrl.u32 s9, $0x1;
	s8 =	sand.u32 $0x180380, s8  }
0xa: {  	s4 =	sadd.s32 $0x200, s6;
	s9 =	ssub.s32 s9, s31;
	s8 =	sshrl.u32 s8, $0x3  }
0xb: {  	s5 =	sshll.u32 s5, $0x8;
	s9 =	smax.u32 s9, $0x1;
	s8 =	sadd.s32 s8, s6  }
0xc: {  	v0 =	vimm.s32 $0x0;
	v1 =	vimm.s32 $0x1;
	s6 =	sadd.s32 s2, s7;
	s7 =	sor.u32 $0x10, s5;
	s8 =	sadd.s32 $0x400, s8  }
.LBB2_1:
0xd: {  	s0 =	simm.s32 $0x8000  }
0xe: {  	[tilespmem:s0], [sflag:$0x3] =	stream.linear.gather [hbm4b:s4+s3], $0x100, $0x38;
	[tilespmem:$0x18100] =	vst v63  }
0xf: {  	_ =	swait.ge [sflag:s11], $0x100  }
0x10: {  	[sflag:s11] =	ssyncset.done $0x0  }
0x11: {  	[sflag:s11] =	ssyncadd.s32 $0xFFFFFF00  }
0x12: {  	s19 =	simm.s32 $0x8140;
	v2 =	vld [tilespmem:$0x8000]  }
0x13: {  	v3 =	vld [tilespmem:$0x8080];
	[tilespmem:s19+$0xFFFFFFC0] =	vst v0  }
0x14: {  	[tilespmem:s19+$0x30] =	vst v0  }
0x15: {  	[tilespmem:s19+$0x20] =	vst v0  }
0x16: {  	[tilespmem:s19+$0x10] =	vst v0  }
0x17: {  	[tilespmem:s19+$0x0] =	vst v0  }
0x18: {  	[tilespmem:s19+$0xFFFFFFF0] =	vst v0  }
0x19: {  	s20 =	simm.s32 $0x0;
	[tilespmem:s19+$0xFFFFFFE0] =	vst v0  }
.LBB2_2:
0x1a: {  	s20 =	sadd.s32 $0x8, s20;
	[tilespmem:s19+$0xFFFFFFD0] =	vst v0;
	s19 =	sadd.s32 $0x80, s19  }
0x1b: {  	[tilespmem:s19+$0xFFFFFFC0] =	vst v0;
	p0 =	slt.u32 s20, $0xFF8  }
0x1c: {  	[tilespmem:s19+$0x30] =	vst v0  }
.Ltmp0:
0x1d: {  	[tilespmem:s19+$0x20] =	vst v0;
	(pc) =	sbr.rel @p0 .LBB2_2-.Ltmp0, $4  }
0x1e: {  	[tilespmem:s19+$0x10] =	vst v0  }
0x1f: {  	[tilespmem:s19+$0x0] =	vst v0  }
0x20: {  	[tilespmem:s19+$0xFFFFFFF0] =	vst v0  }
0x21: {  	[tilespmem:s19+$0xFFFFFFE0] =	vst v0  }
0x22: {  	[tilespmem:s19+$0xFFFFFFD0] =	vst v0;
	s19 =	simm.s32 $0x0;
	s20 =	simm.s32 $0x0  }
0x23: {  	[tilespmem:s19], [sflag:$0x1] =	stream.linear.gather [hbm4b:s6+s19], $0x4000, $0x38;
	[tilespmem:$0x18100] =	vst v63  }
.LBB2_4:
0x24: {  	s21 =	sshll.u32 s20, $0x4  }
0x25: {  	s22 =	sadd.s32 s21, s5  }
0x26: {  	s22 =	sshll.u32 s22, $0x8  }
0x27: {  	s22 =	sadd.s32 s2, s22  }
0x28: {  	s22 =	sadd.s32 $0x800, s22  }
0x29: {  	[tilespmem:s12], [sflag:$0x2] =	stream.linear.gather [hbm4b:s22+s19], $0x4000, $0x38;
	[tilespmem:$0x18100] =	vst v63  }
0x2a: {  	_ =	swait.ge [sflag:s13], $0x4000  }
0x2b: {  	s0 =	sand.u32 $0x60, s19;
	s23 =	sand.u32 $0x3C00, s19;
	[sflag:s13] =	ssyncset.done $0x0  }
0x2c: {  	s26 =	sor.u32 s0, s23;
	[sflag:s13] =	ssyncadd.s32 $0xFFFFC000  }
0x2d: {  	v4 =	vld [tilespmem:s26+$0x10];
	_ =	sdelay $0x4  }
0x2e: {  	v5 =	vld [tilespmem:s26+$0x0];
	v4 =	vsub.s32 v4, v2  }
0x2f: {  	vm0 =	vlt.u32 v4, v3;
	_ =	sdelay $0x3  }
0x30: {  	v5 =	vsub.s32 v5, v2  }
0x31: {  	vm1 =	vlt.u32 v5, v3  }
0x32: {  	[tilespmem:v4+s14+$0x0] =	vst.idx.add.s32.msk vm0, v1  }
0x33: {  	v4 =	vld [tilespmem:s26+$0x90];
	_ =	sdelay $0x3  }
0x34: {  	[tilespmem:v5+s14+$0x0] =	vst.idx.add.s32.msk vm1, v1  }
0x35: {  	v5 =	vld [tilespmem:s26+$0x80];
	v4 =	vsub.s32 v4, v2  }
0x36: {  	vm0 =	vlt.u32 v4, v3;
	_ =	sdelay $0x3  }
0x37: {  	v5 =	vsub.s32 v5, v2  }
0x38: {  	vm1 =	vlt.u32 v5, v3  }
0x39: {  	[tilespmem:v4+s14+$0x0] =	vst.idx.add.s32.msk vm0, v1  }
0x3a: {  	v4 =	vld [tilespmem:s26+$0x110];
	_ =	sdelay $0x3  }
0x3b: {  	s1 =	simm.s32 $0x20;
	s22 =	simm.s32 $0x100;
	[tilespmem:v5+s14+$0x0] =	vst.idx.add.s32.msk vm1, v1  }
0x3c: {  	s23 =	sand.u32 $0x60, s1;
	s24 =	sand.u32 $0x3C00, s22;
	v5 =	vld [tilespmem:s26+$0x100];
	v4 =	vsub.s32 v4, v2  }
0x3d: {  	s23 =	sor.u32 s23, s24;
	vm0 =	vlt.u32 v4, v3  }
0x3e: {  	v6 =	vld [tilespmem:s23+$0x10];
	_ =	sdelay $0x1  }
0x3f: {  	v7 =	vld [tilespmem:s23+$0x0]  }
0x40: {  	v5 =	vsub.s32 v5, v2  }
0x41: {  	vm1 =	vlt.u32 v5, v3  }
0x42: {  	v6 =	vsub.s32 v6, v2;
	[tilespmem:v4+s14+$0x0] =	vst.idx.add.s32.msk vm0, v1  }
0x43: {  	vm0 =	vlt.u32 v6, v3;
	v4 =	vld [tilespmem:s26+$0x190]  }
0x44: {  	v7 =	vsub.s32 v7, v2  }
0x45: {  	vm2 =	vlt.u32 v7, v3;
	_ =	sdelay $0x1  }
0x46: {  	[tilespmem:v5+s14+$0x0] =	vst.idx.add.s32.msk vm1, v1  }
0x47: {  	v5 =	vld [tilespmem:s26+$0x180];
	v4 =	vsub.s32 v4, v2  }
0x48: {  	[tilespmem:v6+s14+$0x0] =	vst.idx.add.s32.msk vm0, v1;
	vm0 =	vlt.u32 v4, v3  }
0x49: {  	v6 =	vld [tilespmem:s23+$0x90]  }
0x4a: {  	[tilespmem:v7+s14+$0x0] =	vst.idx.add.s32.msk vm2, v1  }
0x4b: {  	v7 =	vld [tilespmem:s23+$0x80]  }
0x4c: {  	v5 =	vsub.s32 v5, v2  }
0x4d: {  	vm1 =	vlt.u32 v5, v3  }
0x4e: {  	v6 =	vsub.s32 v6, v2;
	[tilespmem:v4+s14+$0x0] =	vst.idx.add.s32.msk vm0, v1  }
0x4f: {  	vm0 =	vlt.u32 v6, v3;
	v4 =	vld [tilespmem:s26+$0x210]  }
0x50: {  	v7 =	vsub.s32 v7, v2  }
0x51: {  	vm2 =	vlt.u32 v7, v3;
	_ =	sdelay $0x1  }
0x52: {  	[tilespmem:v5+s14+$0x0] =	vst.idx.add.s32.msk vm1, v1  }
0x53: {  	v5 =	vld [tilespmem:s26+$0x200];
	v4 =	vsub.s32 v4, v2  }
0x54: {  	[tilespmem:v6+s14+$0x0] =	vst.idx.add.s32.msk vm0, v1;
	vm0 =	vlt.u32 v4, v3  }
0x55: {  	v6 =	vld [tilespmem:s23+$0x110]  }
0x56: {  	s25 =	simm.s32 $0x40;
	s24 =	simm.s32 $0x200;
	[tilespmem:v7+s14+$0x0] =	vst.idx.add.s32.msk vm2, v1  }
0x57: {  	s25 =	sand.u32 $0x60, s25;
	s28 =	sand.u32 $0x3C00, s24;
	v7 =	vld [tilespmem:s23+$0x100]  }
0x58: {  	s25 =	sor.u32 s25, s28;
	v5 =	vsub.s32 v5, v2  }
0x59: {  	v8 =	vld [tilespmem:s25+$0x10];
	vm1 =	vlt.u32 v5, v3  }
0x5a: {  	v6 =	vsub.s32 v6, v2;
	[tilespmem:v4+s14+$0x0] =	vst.idx.add.s32.msk vm0, v1  }
0x5b: {  	vm0 =	vlt.u32 v6, v3;
	v4 =	vld [tilespmem:s26+$0x290]  }
0x5c: {  	v7 =	vsub.s32 v7, v2  }
0x5d: {  	vm2 =	vlt.u32 v7, v3  }
0x5e: {  	v9 =	vld [tilespmem:s25+$0x0];
	v8 =	vsub.s32 v8, v2  }
0x5f: {  	[tilespmem:v5+s14+$0x0] =	vst.idx.add.s32.msk vm1, v1;
	vm1 =	vlt.u32 v8, v3  }
0x60: {  	v5 =	vld [tilespmem:s26+$0x280];
	v4 =	vsub.s32 v4, v2  }
0x61: {  	[tilespmem:v6+s14+$0x0] =	vst.idx.add.s32.msk vm0, v1;
	vm0 =	vlt.u32 v4, v3  }
0x62: {  	v6 =	vld [tilespmem:s23+$0x190]  }
0x63: {  	s10 =	sand.u32 $0x3, s19;
	v9 =	vsub.s32 v9, v2;
	[tilespmem:v7+s14+$0x0] =	vst.idx.add.s32.msk vm2, v1  }
0x64: {  	vm3 =	vlt.u32 v9, v3;
	v7 =	vld [tilespmem:s23+$0x180];
	s26 =	sshll.u32 s10, $0x5  }
0x65: {  	s26 =	sadd.s32 $0x0, s26;
	v5 =	vsub.s32 v5, v2;
	[tilespmem:v8+s14+$0x0] =	vst.idx.add.s32.msk vm1, v1  }
0x66: {  	s28 =	sadd.s32 $0x10, s26;
	vm1 =	vlt.u32 v5, v3;
	v8 =	vld [tilespmem:s25+$0x90]  }
0x67: {  	s29 =	sor.u32 $0x300, s28;
	v6 =	vsub.s32 v6, v2;
	[tilespmem:v4+s14+$0x0] =	vst.idx.add.s32.msk vm0, v1  }
0x68: {  	vm0 =	vlt.u32 v6, v3;
	v4 =	vld [tilespmem:s29+$0x0];
	_ =	sdelay $0x1  }
0x69: {  	[tilespmem:v9+s14+$0x0] =	vst.idx.add.s32.msk vm3, v1;
	v7 =	vsub.s32 v7, v2  }
0x6a: {  	v9 =	vld [tilespmem:s25+$0x80];
	vm2 =	vlt.u32 v7, v3  }
0x6b: {  	v8 =	vsub.s32 v8, v2;
	[tilespmem:v5+s14+$0x0] =	vst.idx.add.s32.msk vm1, v1;
	s29 =	sor.u32 $0x300, s26  }
0x6c: {  	vm1 =	vlt.u32 v8, v3;
	v5 =	vld [tilespmem:s29+$0x0];
	v4 =	vsub.s32 v4, v2  }
0x6d: {  	[tilespmem:v6+s14+$0x0] =	vst.idx.add.s32.msk vm0, v1;
	vm0 =	vlt.u32 v4, v3;
	_ =	sdelay $0x1  }
0x6e: {  	v6 =	vld [tilespmem:s23+$0x210]  }
0x6f: {  	v9 =	vsub.s32 v9, v2;
	[tilespmem:v7+s14+$0x0] =	vst.idx.add.s32.msk vm2, v1  }
0x70: {  	vm3 =	vlt.u32 v9, v3;
	v7 =	vld [tilespmem:s23+$0x200]  }
0x71: {  	[tilespmem:v8+s14+$0x0] =	vst.idx.add.s32.msk vm1, v1;
	v5 =	vsub.s32 v5, v2  }
0x72: {  	[tilespmem:v4+s14+$0x0] =	vst.idx.add.s32.msk vm0, v1;
	vm0 =	vlt.u32 v5, v3  }
0x73: {  	v8 =	vld [tilespmem:s25+$0x110];
	v6 =	vsub.s32 v6, v2  }
0x74: {  	s28 =	sor.u32 $0x380, s28;
	vm1 =	vlt.u32 v6, v3  }
0x75: {  	s30 =	simm.s32 $0x300;
	s31 =	simm.s32 $0x60;
	v4 =	vld [tilespmem:s28+$0x0]  }
0x76: {  	[tilespmem:v9+s14+$0x0] =	vst.idx.add.s32.msk vm3, v1;
	v7 =	vsub.s32 v7, v2;
	s26 =	sor.u32 $0x380, s26;
	s29 =	simm.s32 $0x4;
	s28 =	simm.s32 $0x0  }
.LBB2_5:
0x77: {  	s1 =	sand.u32 $0x60, s31;
	s0 =	sand.u32 $0x3C00, s30;
	v9 =	vld [tilespmem:s25+$0x100];
	vm2 =	vlt.u32 v7, v3  }
0x78: {  	s29 =	sadd.s32 $0x2, s29;
	s0 =	sor.u32 s1, s0;
	v8 =	vsub.s32 v8, v2;
	[tilespmem:v5+s14+$0x0] =	vst.idx.add.s32.msk vm0, v1  }
0x79: {  	p0 =	slt.u32 s29, $0x7E;
	v5 =	vld [tilespmem:s0+$0x10];
	vm0 =	vlt.u32 v8, v3  }
0x7a: {  	[tilespmem:v6+s14+$0x0] =	vst.idx.add.s32.msk vm1, v1;
	v4 =	vsub.s32 v4, v2  }
0x7b: {  	v6 =	vld [tilespmem:s23+$0x290];
	vm1 =	vlt.u32 v4, v3  }
0x7c: {  	v10 =	vld [tilespmem:s0+$0x0];
	v9 =	vsub.s32 v9, v2  }
0x7d: {  	vm3 =	vlt.u32 v9, v3;
	[tilespmem:v7+s14+$0x0] =	vst.idx.add.s32.msk vm2, v1  }
0x7e: {  	v5 =	vsub.s32 v5, v2;
	v7 =	vld [tilespmem:s23+$0x280];
	s23 =	smov.u32 s25;
	s25 =	smov.u32 s0  }
0x7f: {  	vm2 =	vlt.u32 v5, v3;
	[tilespmem:v8+s14+$0x0] =	vst.idx.add.s32.msk vm0, v1  }
0x80: {  	v8 =	vld [tilespmem:s23+$0x190];
	v6 =	vsub.s32 v6, v2  }
0x81: {  	v10 =	vsub.s32 v10, v2;
	vm0 =	vlt.u32 v6, v3;
	[tilespmem:v4+s14+$0x0] =	vst.idx.add.s32.msk vm1, v1  }
0x82: {  	s28 =	sadd.s32 $0x1, s28;
	vm1 =	vlt.u32 v10, v3;
	v4 =	vld [tilespmem:s26+$0x0]  }
0x83: {  	s0 =	sand.u32 $0x3, s28;
	[tilespmem:v9+s14+$0x0] =	vst.idx.add.s32.msk vm3, v1;
	v7 =	vsub.s32 v7, v2  }
0x84: {  	s0 =	sshll.u32 s0, $0x5;
	v9 =	vld [tilespmem:s23+$0x180];
	vm3 =	vlt.u32 v7, v3  }
0x85: {  	s0 =	sadd.s32 s0, s22;
	s22 =	smov.u32 s24;
	s24 =	smov.u32 s30;
	[tilespmem:v5+s14+$0x0] =	vst.idx.add.s32.msk vm2, v1  }
0x86: {  	s1 =	sor.u32 $0x300, s0;
	s26 =	sor.u32 $0x380, s0;
	s0 =	sadd.s32 $0x10, s0;
	v8 =	vsub.s32 v8, v2;
	v5 =	vld [tilespmem:s25+$0x90]  }
0x87: {  	s10 =	sor.u32 $0x300, s0;
	vm2 =	vlt.u32 v8, v3;
	[tilespmem:v6+s14+$0x0] =	vst.idx.add.s32.msk vm0, v1;
	v4 =	vsub.s32 v4, v2  }
0x88: {  	v6 =	vld [tilespmem:s10+$0x0];
	vm0 =	vlt.u32 v4, v3  }
0x89: {  	[tilespmem:v10+s14+$0x0] =	vst.idx.add.s32.msk vm1, v1;
	v9 =	vsub.s32 v9, v2  }
0x8a: {  	v10 =	vld [tilespmem:s25+$0x80];
	vm1 =	vlt.u32 v9, v3  }
0x8b: {  	v11 =	vsub.s32 v5, v2;
	[tilespmem:v7+s14+$0x0] =	vst.idx.add.s32.msk vm3, v1  }
0x8c: {  	vm3 =	vlt.u32 v11, v3;
	v5 =	vld [tilespmem:s1+$0x0]  }
0x8d: {  	[tilespmem:v8+s14+$0x0] =	vst.idx.add.s32.msk vm2, v1;
	v7 =	vsub.s32 v6, v2  }
0x8e: {  	v6 =	vld [tilespmem:s23+$0x210];
	vm2 =	vlt.u32 v7, v3  }
0x8f: {  	v10 =	vsub.s32 v10, v2;
	[tilespmem:v4+s14+$0x0] =	vst.idx.add.s32.msk vm0, v1  }
0x90: {  	vm4 =	vlt.u32 v10, v3;
	[tilespmem:v9+s14+$0x0] =	vst.idx.add.s32.msk vm1, v1  }
0x91: {  	v9 =	vld [tilespmem:s23+$0x200];
	v5 =	vsub.s32 v5, v2  }
.Ltmp1:
0x92: {  	[tilespmem:v11+s14+$0x0] =	vst.idx.add.s32.msk vm3, v1;
	vm0 =	vlt.u32 v5, v3;
	(pc) =	sbr.rel @p0 .LBB2_5-.Ltmp1, $4  }
0x93: {  	v8 =	vld [tilespmem:s25+$0x110];
	v6 =	vsub.s32 v6, v2  }
0x94: {  	s0 =	sor.u32 $0x380, s0;
	vm1 =	vlt.u32 v6, v3;
	[tilespmem:v7+s14+$0x0] =	vst.idx.add.s32.msk vm2, v1  }
0x95: {  	v4 =	vld [tilespmem:s0+$0x0]  }
0x96: {  	s31 =	sadd.s32 $0x20, s31;
	s30 =	sadd.s32 $0x100, s30;
	[tilespmem:v10+s14+$0x0] =	vst.idx.add.s32.msk vm4, v1;
	v7 =	vsub.s32 v9, v2  }
0x97: {  	v9 =	vld [tilespmem:s25+$0x100];
	_ =	sdelay $0x2  }
0x98: {  	v8 =	vsub.s32 v8, v2  }
0x99: {  	vm2 =	vlt.u32 v8, v3  }
0x9a: {  	v9 =	vsub.s32 v9, v2  }
0x9b: {  	vm3 =	vlt.u32 v9, v3;
	_ =	sdelay $0x3  }
0x9c: {  	[tilespmem:v8+s14+$0x0] =	vst.idx.add.s32.msk vm2, v1  }
0x9d: {  	v8 =	vld [tilespmem:s25+$0x190]  }
0x9e: {  	[tilespmem:v9+s14+$0x0] =	vst.idx.add.s32.msk vm3, v1  }
0x9f: {  	v9 =	vld [tilespmem:s25+$0x180];
	_ =	sdelay $0x2  }
0xa0: {  	v8 =	vsub.s32 v8, v2  }
0xa1: {  	vm2 =	vlt.u32 v8, v3  }
0xa2: {  	v9 =	vsub.s32 v9, v2  }
0xa3: {  	vm3 =	vlt.u32 v9, v3;
	_ =	sdelay $0x3  }
0xa4: {  	[tilespmem:v8+s14+$0x0] =	vst.idx.add.s32.msk vm2, v1  }
0xa5: {  	v8 =	vld [tilespmem:s25+$0x210]  }
0xa6: {  	vm2 =	vlt.u32 v7, v3;
	[tilespmem:v9+s14+$0x0] =	vst.idx.add.s32.msk vm3, v1  }
0xa7: {  	v9 =	vld [tilespmem:s25+$0x200];
	_ =	sdelay $0x2  }
0xa8: {  	v8 =	vsub.s32 v8, v2  }
0xa9: {  	[tilespmem:v6+s14+$0x0] =	vst.idx.add.s32.msk vm1, v1;
	vm3 =	vlt.u32 v8, v3  }
0xaa: {  	[tilespmem:v7+s14+$0x0] =	vst.idx.add.s32.msk vm2, v1;
	v9 =	vsub.s32 v9, v2  }
0xab: {  	v7 =	vld [tilespmem:s23+$0x280];
	vm1 =	vlt.u32 v9, v3  }
0xac: {  	v6 =	vld [tilespmem:s23+$0x290];
	_ =	sdelay $0x2  }
0xad: {  	[tilespmem:v8+s14+$0x0] =	vst.idx.add.s32.msk vm3, v1  }
0xae: {  	v7 =	vsub.s32 v7, v2;
	v8 =	vld [tilespmem:s25+$0x290]  }
0xaf: {  	v6 =	vsub.s32 v6, v2;
	vm2 =	vlt.u32 v7, v3;
	[tilespmem:v9+s14+$0x0] =	vst.idx.add.s32.msk vm1, v1  }
0xb0: {  	vm1 =	vlt.u32 v6, v3;
	v9 =	vld [tilespmem:s25+$0x280]  }
0xb1: {  	s0 =	sadd.s32 $0x1, s28  }
0xb2: {  	s1 =	sand.u32 $0x3, s0  }
0xb3: {  	s1 =	sshll.u32 s1, $0x5;
	v8 =	vsub.s32 v8, v2  }
0xb4: {  	s1 =	sadd.s32 s1, s22;
	vm3 =	vlt.u32 v8, v3  }
0xb5: {  	s0 =	sadd.s32 $0x1, s0;
	s10 =	sadd.s32 $0x10, s1;
	[tilespmem:v7+s14+$0x0] =	vst.idx.add.s32.msk vm2, v1;
	v9 =	vsub.s32 v9, v2  }
0xb6: {  	s0 =	sand.u32 $0x3, s0;
	s31 =	sor.u32 $0x300, s10;
	[tilespmem:v6+s14+$0x0] =	vst.idx.add.s32.msk vm1, v1;
	vm1 =	vlt.u32 v9, v3  }
0xb7: {  	s0 =	sshll.u32 s0, $0x5;
	s23 =	sor.u32 $0x300, s1;
	v6 =	vld [tilespmem:s31+$0x0]  }
0xb8: {  	s0 =	sadd.s32 s0, s24;
	v7 =	vld [tilespmem:s23+$0x0]  }
0xb9: {  	s25 =	sadd.s32 $0x10, s0  }
0xba: {  	s31 =	sor.u32 $0x300, s25;
	[tilespmem:v8+s14+$0x0] =	vst.idx.add.s32.msk vm3, v1  }
0xbb: {  	v8 =	vld [tilespmem:s31+$0x0]  }
0xbc: {  	s24 =	sor.u32 $0x300, s0;
	v6 =	vsub.s32 v6, v2;
	[tilespmem:v9+s14+$0x0] =	vst.idx.add.s32.msk vm1, v1  }
0xbd: {  	v7 =	vsub.s32 v7, v2;
	vm1 =	vlt.u32 v6, v3;
	v9 =	vld [tilespmem:s24+$0x0]  }
0xbe: {  	vm2 =	vlt.u32 v7, v3;
	_ =	sdelay $0x1  }
0xbf: {  	v8 =	vsub.s32 v8, v2  }
0xc0: {  	[tilespmem:v5+s14+$0x0] =	vst.idx.add.s32.msk vm0, v1;
	vm0 =	vlt.u32 v8, v3  }
0xc1: {  	v5 =	vld [tilespmem:s26+$0x0];
	v9 =	vsub.s32 v9, v2  }
0xc2: {  	[tilespmem:v6+s14+$0x0] =	vst.idx.add.s32.msk vm1, v1;
	vm1 =	vlt.u32 v9, v3  }
0xc3: {  	s1 =	sor.u32 $0x380, s1;
	[tilespmem:v7+s14+$0x0] =	vst.idx.add.s32.msk vm2, v1  }
0xc4: {  	s10 =	sor.u32 $0x380, s10;
	v7 =	vld [tilespmem:s1+$0x0]  }
0xc5: {  	v6 =	vld [tilespmem:s10+$0x0]  }
0xc6: {  	s25 =	sor.u32 $0x380, s25;
	[tilespmem:v8+s14+$0x0] =	vst.idx.add.s32.msk vm0, v1  }
0xc7: {  	v8 =	vld [tilespmem:s25+$0x0]  }
0xc8: {  	s0 =	sor.u32 $0x380, s0;
	[tilespmem:v9+s14+$0x0] =	vst.idx.add.s32.msk vm1, v1  }
0xc9: {  	v4 =	vsub.s32 v4, v2;
	v9 =	vld [tilespmem:s0+$0x0]  }
0xca: {  	v7 =	vsub.s32 v7, v2;
	vm0 =	vlt.u32 v4, v3  }
0xcb: {  	v5 =	vsub.s32 v5, v2;
	vm3 =	vlt.u32 v7, v3  }
0xcc: {  	v6 =	vsub.s32 v6, v2;
	vm1 =	vlt.u32 v5, v3  }
0xcd: {  	vm2 =	vlt.u32 v6, v3;
	v8 =	vsub.s32 v8, v2  }
0xce: {  	vm4 =	vlt.u32 v8, v3;
	v9 =	vsub.s32 v9, v2  }
0xcf: {  	vm5 =	vlt.u32 v9, v3  }
0xd0: {  	[tilespmem:v4+s14+$0x0] =	vst.idx.add.s32.msk vm0, v1  }
0xd1: {  	[tilespmem:v7+s14+$0x0] =	vst.idx.add.s32.msk vm3, v1  }
0xd2: {  	p0 =	seq.s32 s20, $0xF;
	[tilespmem:v5+s14+$0x0] =	vst.idx.add.s32.msk vm1, v1  }
0xd3: {  	s0 =	sadd.s32 @!p0 s21, s7;
	[tilespmem:v6+s14+$0x0] =	vst.idx.add.s32.msk vm2, v1  }
0xd4: {  	s0 =	sshll.u32 @!p0 s0, $0x8;
	[tilespmem:v8+s14+$0x0] =	vst.idx.add.s32.msk vm4, v1  }
0xd5: {  	s1 =	simm.s32 @!p0 $0x0;
	s0 =	sadd.s32 @!p0 s2, s0;
	[tilespmem:v9+s14+$0x0] =	vst.idx.add.s32.msk vm5, v1  }
0xd6: {  	[tilespmem:s1], [sflag:$0x1] =	stream.linear.gather @!p0 [hbm4b:s0+s1], $0x4000, $0x38;
	[tilespmem:$0x18100] =	vst v63  }
0xd7: {  	s21 =	simm.s32 $0x0;
	_ =	swait.ge [sflag:s15], $0x4000  }
0xd8: {  	s26 =	sand.u32 $0x60, s21;
	s31 =	sand.u32 $0x3C00, s21;
	[sflag:s15] =	ssyncset.done $0x0  }
0xd9: {  	s10 =	sor.u32 s26, s31;
	[sflag:s15] =	ssyncadd.s32 $0xFFFFC000  }
0xda: {  	v4 =	vld [tilespmem:s10+$0x4010];
	_ =	sdelay $0x4  }
0xdb: {  	v5 =	vld [tilespmem:s10+$0x4000];
	v4 =	vsub.s32 v4, v2  }
0xdc: {  	vm0 =	vlt.u32 v4, v3;
	_ =	sdelay $0x3  }
0xdd: {  	v5 =	vsub.s32 v5, v2  }
0xde: {  	vm1 =	vlt.u32 v5, v3  }
0xdf: {  	[tilespmem:v4+s14+$0x0] =	vst.idx.add.s32.msk vm0, v1  }
0xe0: {  	v4 =	vld [tilespmem:s10+$0x4090];
	_ =	sdelay $0x3  }
0xe1: {  	[tilespmem:v5+s14+$0x0] =	vst.idx.add.s32.msk vm1, v1  }
0xe2: {  	v5 =	vld [tilespmem:s10+$0x4080];
	v4 =	vsub.s32 v4, v2  }
0xe3: {  	vm0 =	vlt.u32 v4, v3;
	_ =	sdelay $0x3  }
0xe4: {  	v5 =	vsub.s32 v5, v2  }
0xe5: {  	vm1 =	vlt.u32 v5, v3  }
0xe6: {  	[tilespmem:v4+s14+$0x0] =	vst.idx.add.s32.msk vm0, v1  }
0xe7: {  	v4 =	vld [tilespmem:s10+$0x4110];
	_ =	sdelay $0x3  }
0xe8: {  	s22 =	simm.s32 $0x100;
	s23 =	simm.s32 $0x20;
	[tilespmem:v5+s14+$0x0] =	vst.idx.add.s32.msk vm1, v1  }
0xe9: {  	s24 =	sand.u32 $0x3C00, s22;
	s0 =	sand.u32 $0x60, s23;
	v5 =	vld [tilespmem:s10+$0x4100];
	v4 =	vsub.s32 v4, v2  }
0xea: {  	s23 =	sor.u32 s0, s24;
	vm0 =	vlt.u32 v4, v3  }
0xeb: {  	v6 =	vld [tilespmem:s23+$0x4010];
	_ =	sdelay $0x1  }
0xec: {  	v7 =	vld [tilespmem:s23+$0x4000]  }
0xed: {  	v5 =	vsub.s32 v5, v2  }
0xee: {  	vm1 =	vlt.u32 v5, v3  }
0xef: {  	v6 =	vsub.s32 v6, v2;
	[tilespmem:v4+s14+$0x0] =	vst.idx.add.s32.msk vm0, v1  }
0xf0: {  	vm0 =	vlt.u32 v6, v3;
	v4 =	vld [tilespmem:s10+$0x4190]  }
0xf1: {  	v7 =	vsub.s32 v7, v2  }
0xf2: {  	vm2 =	vlt.u32 v7, v3;
	_ =	sdelay $0x1  }
0xf3: {  	[tilespmem:v5+s14+$0x0] =	vst.idx.add.s32.msk vm1, v1  }
0xf4: {  	v5 =	vld [tilespmem:s10+$0x4180];
	v4 =	vsub.s32 v4, v2  }
0xf5: {  	[tilespmem:v6+s14+$0x0] =	vst.idx.add.s32.msk vm0, v1;
	vm0 =	vlt.u32 v4, v3  }
0xf6: {  	v6 =	vld [tilespmem:s23+$0x4090]  }
0xf7: {  	[tilespmem:v7+s14+$0x0] =	vst.idx.add.s32.msk vm2, v1  }
0xf8: {  	v7 =	vld [tilespmem:s23+$0x4080]  }
0xf9: {  	v5 =	vsub.s32 v5, v2  }
0xfa: {  	vm1 =	vlt.u32 v5, v3  }
0xfb: {  	v6 =	vsub.s32 v6, v2;
	[tilespmem:v4+s14+$0x0] =	vst.idx.add.s32.msk vm0, v1  }
0xfc: {  	vm0 =	vlt.u32 v6, v3;
	v4 =	vld [tilespmem:s10+$0x4210]  }
0xfd: {  	v7 =	vsub.s32 v7, v2  }
0xfe: {  	vm2 =	vlt.u32 v7, v3;
	_ =	sdelay $0x1  }
0xff: {  	[tilespmem:v5+s14+$0x0] =	vst.idx.add.s32.msk vm1, v1  }
0x100: {  	v5 =	vld [tilespmem:s10+$0x4200];
	v4 =	vsub.s32 v4, v2  }
0x101: {  	[tilespmem:v6+s14+$0x0] =	vst.idx.add.s32.msk vm0, v1;
	vm0 =	vlt.u32 v4, v3  }
0x102: {  	v6 =	vld [tilespmem:s23+$0x4110]  }
0x103: {  	s25 =	simm.s32 $0x40;
	s24 =	simm.s32 $0x200;
	[tilespmem:v7+s14+$0x0] =	vst.idx.add.s32.msk vm2, v1  }
0x104: {  	s0 =	sand.u32 $0x60, s25;
	s31 =	sand.u32 $0x3C00, s24;
	v7 =	vld [tilespmem:s23+$0x4100]  }
0x105: {  	s25 =	sor.u32 s0, s31;
	v5 =	vsub.s32 v5, v2  }
0x106: {  	v8 =	vld [tilespmem:s25+$0x4010];
	vm1 =	vlt.u32 v5, v3  }
0x107: {  	v6 =	vsub.s32 v6, v2;
	[tilespmem:v4+s14+$0x0] =	vst.idx.add.s32.msk vm0, v1  }
0x108: {  	vm0 =	vlt.u32 v6, v3;
	v4 =	vld [tilespmem:s10+$0x4290]  }
0x109: {  	v7 =	vsub.s32 v7, v2  }
0x10a: {  	vm2 =	vlt.u32 v7, v3  }
0x10b: {  	v9 =	vld [tilespmem:s25+$0x4000];
	v8 =	vsub.s32 v8, v2  }
0x10c: {  	[tilespmem:v5+s14+$0x0] =	vst.idx.add.s32.msk vm1, v1;
	vm1 =	vlt.u32 v8, v3  }
0x10d: {  	v5 =	vld [tilespmem:s10+$0x4280];
	v4 =	vsub.s32 v4, v2  }
0x10e: {  	[tilespmem:v6+s14+$0x0] =	vst.idx.add.s32.msk vm0, v1;
	vm0 =	vlt.u32 v4, v3  }
0x10f: {  	v6 =	vld [tilespmem:s23+$0x4190]  }
0x110: {  	v9 =	vsub.s32 v9, v2;
	[tilespmem:v7+s14+$0x0] =	vst.idx.add.s32.msk vm2, v1;
	s10 =	sand.u32 $0x3, s21  }
0x111: {  	vm3 =	vlt.u32 v9, v3;
	v7 =	vld [tilespmem:s23+$0x4180];
	s0 =	sshll.u32 s10, $0x5  }
0x112: {  	s0 =	sadd.s32 $0x0, s0;
	v5 =	vsub.s32 v5, v2;
	[tilespmem:v8+s14+$0x0] =	vst.idx.add.s32.msk vm1, v1  }
0x113: {  	s1 =	sadd.s32 $0x10, s0;
	vm1 =	vlt.u32 v5, v3;
	v8 =	vld [tilespmem:s25+$0x4090]  }
0x114: {  	s26 =	sor.u32 $0x300, s1;
	v6 =	vsub.s32 v6, v2;
	[tilespmem:v4+s14+$0x0] =	vst.idx.add.s32.msk vm0, v1  }
0x115: {  	vm0 =	vlt.u32 v6, v3;
	v4 =	vld [tilespmem:s26+$0x4000];
	_ =	sdelay $0x1  }
0x116: {  	[tilespmem:v9+s14+$0x0] =	vst.idx.add.s32.msk vm3, v1;
	v7 =	vsub.s32 v7, v2  }
0x117: {  	v9 =	vld [tilespmem:s25+$0x4080];
	vm2 =	vlt.u32 v7, v3  }
0x118: {  	s31 =	sor.u32 $0x300, s0;
	v8 =	vsub.s32 v8, v2;
	[tilespmem:v5+s14+$0x0] =	vst.idx.add.s32.msk vm1, v1  }
0x119: {  	vm1 =	vlt.u32 v8, v3;
	v5 =	vld [tilespmem:s31+$0x4000];
	v4 =	vsub.s32 v4, v2  }
0x11a: {  	[tilespmem:v6+s14+$0x0] =	vst.idx.add.s32.msk vm0, v1;
	vm0 =	vlt.u32 v4, v3;
	_ =	sdelay $0x1  }
0x11b: {  	v6 =	vld [tilespmem:s23+$0x4210]  }
0x11c: {  	v9 =	vsub.s32 v9, v2;
	[tilespmem:v7+s14+$0x0] =	vst.idx.add.s32.msk vm2, v1  }
0x11d: {  	vm3 =	vlt.u32 v9, v3;
	v7 =	vld [tilespmem:s23+$0x4200]  }
0x11e: {  	[tilespmem:v8+s14+$0x0] =	vst.idx.add.s32.msk vm1, v1;
	v5 =	vsub.s32 v5, v2  }
0x11f: {  	[tilespmem:v4+s14+$0x0] =	vst.idx.add.s32.msk vm0, v1;
	vm0 =	vlt.u32 v5, v3  }
0x120: {  	v8 =	vld [tilespmem:s25+$0x4110];
	v6 =	vsub.s32 v6, v2  }
0x121: {  	s1 =	sor.u32 $0x380, s1;
	vm1 =	vlt.u32 v6, v3  }
0x122: {  	s28 =	simm.s32 $0x4;
	v4 =	vld [tilespmem:s1+$0x4000]  }
0x123: {  	s29 =	simm.s32 $0x300;
	s30 =	simm.s32 $0x60;
	[tilespmem:v9+s14+$0x0] =	vst.idx.add.s32.msk vm3, v1;
	v7 =	vsub.s32 v7, v2;
	s26 =	sor.u32 $0x380, s0  }
.LBB2_7:
0x124: {  	s0 =	sand.u32 $0x60, s30;
	s1 =	sand.u32 $0x3C00, s29;
	v9 =	vld [tilespmem:s25+$0x4100];
	vm2 =	vlt.u32 v7, v3  }
0x125: {  	s28 =	sadd.s32 $0x2, s28;
	s0 =	sor.u32 s0, s1;
	v8 =	vsub.s32 v8, v2;
	[tilespmem:v5+s14+$0x0] =	vst.idx.add.s32.msk vm0, v1  }
0x126: {  	p0 =	slt.u32 s28, $0x7E;
	v5 =	vld [tilespmem:s0+$0x4010];
	vm0 =	vlt.u32 v8, v3  }
0x127: {  	[tilespmem:v6+s14+$0x0] =	vst.idx.add.s32.msk vm1, v1;
	v4 =	vsub.s32 v4, v2  }
0x128: {  	v6 =	vld [tilespmem:s23+$0x4290];
	vm1 =	vlt.u32 v4, v3  }
0x129: {  	v10 =	vld [tilespmem:s0+$0x4000];
	v9 =	vsub.s32 v9, v2  }
0x12a: {  	vm3 =	vlt.u32 v9, v3;
	[tilespmem:v7+s14+$0x0] =	vst.idx.add.s32.msk vm2, v1  }
0x12b: {  	v5 =	vsub.s32 v5, v2;
	v7 =	vld [tilespmem:s23+$0x4280];
	s23 =	smov.u32 s25;
	s25 =	smov.u32 s0  }
0x12c: {  	vm2 =	vlt.u32 v5, v3;
	[tilespmem:v8+s14+$0x0] =	vst.idx.add.s32.msk vm0, v1  }
0x12d: {  	v8 =	vld [tilespmem:s23+$0x4190];
	v6 =	vsub.s32 v6, v2  }
0x12e: {  	v10 =	vsub.s32 v10, v2;
	vm0 =	vlt.u32 v6, v3;
	[tilespmem:v4+s14+$0x0] =	vst.idx.add.s32.msk vm1, v1  }
0x12f: {  	s21 =	sadd.s32 $0x1, s21;
	vm1 =	vlt.u32 v10, v3;
	v4 =	vld [tilespmem:s26+$0x4000]  }
0x130: {  	s0 =	sand.u32 $0x3, s21;
	[tilespmem:v9+s14+$0x0] =	vst.idx.add.s32.msk vm3, v1;
	v7 =	vsub.s32 v7, v2  }
0x131: {  	s0 =	sshll.u32 s0, $0x5;
	v9 =	vld [tilespmem:s23+$0x4180];
	vm3 =	vlt.u32 v7, v3  }
0x132: {  	s0 =	sadd.s32 s0, s22;
	s22 =	smov.u32 s24;
	s24 =	smov.u32 s29;
	[tilespmem:v5+s14+$0x0] =	vst.idx.add.s32.msk vm2, v1  }
0x133: {  	s1 =	sor.u32 $0x300, s0;
	s26 =	sor.u32 $0x380, s0;
	s0 =	sadd.s32 $0x10, s0;
	v8 =	vsub.s32 v8, v2;
	v5 =	vld [tilespmem:s25+$0x4090]  }
0x134: {  	s10 =	sor.u32 $0x300, s0;
	vm2 =	vlt.u32 v8, v3;
	[tilespmem:v6+s14+$0x0] =	vst.idx.add.s32.msk vm0, v1;
	v4 =	vsub.s32 v4, v2  }
0x135: {  	v6 =	vld [tilespmem:s10+$0x4000];
	vm0 =	vlt.u32 v4, v3  }
0x136: {  	[tilespmem:v10+s14+$0x0] =	vst.idx.add.s32.msk vm1, v1;
	v9 =	vsub.s32 v9, v2  }
0x137: {  	v10 =	vld [tilespmem:s25+$0x4080];
	vm1 =	vlt.u32 v9, v3  }
0x138: {  	v11 =	vsub.s32 v5, v2;
	[tilespmem:v7+s14+$0x0] =	vst.idx.add.s32.msk vm3, v1  }
0x139: {  	vm3 =	vlt.u32 v11, v3;
	v5 =	vld [tilespmem:s1+$0x4000]  }
0x13a: {  	[tilespmem:v8+s14+$0x0] =	vst.idx.add.s32.msk vm2, v1;
	v7 =	vsub.s32 v6, v2  }
0x13b: {  	v6 =	vld [tilespmem:s23+$0x4210];
	vm2 =	vlt.u32 v7, v3  }
0x13c: {  	v10 =	vsub.s32 v10, v2;
	[tilespmem:v4+s14+$0x0] =	vst.idx.add.s32.msk vm0, v1  }
0x13d: {  	vm4 =	vlt.u32 v10, v3;
	[tilespmem:v9+s14+$0x0] =	vst.idx.add.s32.msk vm1, v1  }
0x13e: {  	v9 =	vld [tilespmem:s23+$0x4200];
	v5 =	vsub.s32 v5, v2  }
.Ltmp2:
0x13f: {  	[tilespmem:v11+s14+$0x0] =	vst.idx.add.s32.msk vm3, v1;
	vm0 =	vlt.u32 v5, v3;
	(pc) =	sbr.rel @p0 .LBB2_7-.Ltmp2, $4  }
0x140: {  	v8 =	vld [tilespmem:s25+$0x4110];
	v6 =	vsub.s32 v6, v2  }
0x141: {  	s0 =	sor.u32 $0x380, s0;
	vm1 =	vlt.u32 v6, v3;
	[tilespmem:v7+s14+$0x0] =	vst.idx.add.s32.msk vm2, v1  }
0x142: {  	v4 =	vld [tilespmem:s0+$0x4000]  }
0x143: {  	s30 =	sadd.s32 $0x20, s30;
	s29 =	sadd.s32 $0x100, s29;
	[tilespmem:v10+s14+$0x0] =	vst.idx.add.s32.msk vm4, v1;
	v7 =	vsub.s32 v9, v2  }
0x144: {  	v9 =	vld [tilespmem:s25+$0x4100];
	_ =	sdelay $0x2  }
0x145: {  	v8 =	vsub.s32 v8, v2  }
0x146: {  	vm2 =	vlt.u32 v8, v3  }
0x147: {  	v9 =	vsub.s32 v9, v2  }
0x148: {  	vm3 =	vlt.u32 v9, v3;
	_ =	sdelay $0x3  }
0x149: {  	[tilespmem:v8+s14+$0x0] =	vst.idx.add.s32.msk vm2, v1  }
0x14a: {  	v8 =	vld [tilespmem:s25+$0x4190]  }
0x14b: {  	[tilespmem:v9+s14+$0x0] =	vst.idx.add.s32.msk vm3, v1  }
0x14c: {  	v9 =	vld [tilespmem:s25+$0x4180];
	_ =	sdelay $0x2  }
0x14d: {  	v8 =	vsub.s32 v8, v2  }
0x14e: {  	vm9 =	vlt.u32 v8, v3  }
0x14f: {  	v9 =	vsub.s32 v9, v2  }
0x150: {  	vm10 =	vlt.u32 v9, v3;
	_ =	sdelay $0x3  }
0x151: {  	[tilespmem:v8+s14+$0x0] =	vst.idx.add.s32.msk vm9, v1  }
0x152: {  	v8 =	vld [tilespmem:s25+$0x4210]  }
0x153: {  	[tilespmem:v9+s14+$0x0] =	vst.idx.add.s32.msk vm10, v1  }
0x154: {  	v9 =	vld [tilespmem:s25+$0x4200];
	_ =	sdelay $0x1  }
0x155: {  	vm11 =	vlt.u32 v7, v3  }
0x156: {  	v8 =	vsub.s32 v8, v2  }
0x157: {  	vm12 =	vlt.u32 v8, v3  }
0x158: {  	v9 =	vsub.s32 v9, v2  }
0x159: {  	[tilespmem:v6+s14+$0x0] =	vst.idx.add.s32.msk vm1, v1;
	vm13 =	vlt.u32 v9, v3  }
0x15a: {  	v6 =	vld [tilespmem:s23+$0x4290]  }
0x15b: {  	[tilespmem:v7+s14+$0x0] =	vst.idx.add.s32.msk vm11, v1  }
0x15c: {  	v7 =	vld [tilespmem:s23+$0x4280]  }
0x15d: {  	[tilespmem:v8+s14+$0x0] =	vst.idx.add.s32.msk vm12, v1  }
0x15e: {  	v8 =	vld [tilespmem:s25+$0x4290]  }
0x15f: {  	v6 =	vsub.s32 v6, v2;
	[tilespmem:v9+s14+$0x0] =	vst.idx.add.s32.msk vm13, v1  }
0x160: {  	vm14 =	vlt.u32 v6, v3;
	v9 =	vld [tilespmem:s25+$0x4280]  }
0x161: {  	s0 =	sadd.s32 $0x1, s21;
	v7 =	vsub.s32 v7, v2  }
0x162: {  	s1 =	sand.u32 $0x3, s0;
	vm15 =	vlt.u32 v7, v3  }
0x163: {  	s1 =	sshll.u32 s1, $0x5;
	v8 =	vsub.s32 v8, v2  }
0x164: {  	s1 =	sadd.s32 s1, s22;
	vm6 =	vlt.u32 v8, v3  }
0x165: {  	s0 =	sadd.s32 $0x1, s0;
	s10 =	sadd.s32 $0x10, s1;
	v9 =	vsub.s32 v9, v2  }
0x166: {  	s0 =	sand.u32 $0x3, s0;
	s23 =	sor.u32 $0x300, s10;
	[tilespmem:v6+s14+$0x0] =	vst.idx.add.s32.msk vm14, v1;
	vm7 =	vlt.u32 v9, v3  }
0x167: {  	s0 =	sshll.u32 s0, $0x5;
	v6 =	vld [tilespmem:s23+$0x4000]  }
0x168: {  	s0 =	sadd.s32 s0, s24;
	[tilespmem:v7+s14+$0x0] =	vst.idx.add.s32.msk vm15, v1;
	s25 =	sor.u32 $0x300, s1  }
0x169: {  	s28 =	sadd.s32 $0x10, s0;
	v7 =	vld [tilespmem:s25+$0x4000]  }
0x16a: {  	s29 =	sor.u32 $0x300, s28;
	[tilespmem:v8+s14+$0x0] =	vst.idx.add.s32.msk vm6, v1  }
0x16b: {  	v8 =	vld [tilespmem:s29+$0x4000]  }
0x16c: {  	s30 =	sor.u32 $0x300, s0;
	v6 =	vsub.s32 v6, v2;
	[tilespmem:v9+s14+$0x0] =	vst.idx.add.s32.msk vm7, v1  }
0x16d: {  	vm8 =	vlt.u32 v6, v3;
	v9 =	vld [tilespmem:s30+$0x4000]  }
0x16e: {  	v7 =	vsub.s32 v7, v2  }
0x16f: {  	vm9 =	vlt.u32 v7, v3  }
0x170: {  	v8 =	vsub.s32 v8, v2  }
0x171: {  	[tilespmem:v5+s14+$0x0] =	vst.idx.add.s32.msk vm0, v1;
	vm10 =	vlt.u32 v8, v3  }
0x172: {  	v5 =	vld [tilespmem:s26+$0x4000];
	v9 =	vsub.s32 v9, v2  }
0x173: {  	s10 =	sor.u32 $0x380, s10;
	[tilespmem:v6+s14+$0x0] =	vst.idx.add.s32.msk vm8, v1;
	vm11 =	vlt.u32 v9, v3  }
0x174: {  	v6 =	vld [tilespmem:s10+$0x4000]  }
0x175: {  	s1 =	sor.u32 $0x380, s1;
	[tilespmem:v7+s14+$0x0] =	vst.idx.add.s32.msk vm9, v1  }
0x176: {  	v7 =	vld [tilespmem:s1+$0x4000]  }
0x177: {  	s31 =	sor.u32 $0x380, s28;
	[tilespmem:v8+s14+$0x0] =	vst.idx.add.s32.msk vm10, v1  }
0x178: {  	v8 =	vld [tilespmem:s31+$0x4000]  }
0x179: {  	s0 =	sor.u32 $0x380, s0;
	[tilespmem:v9+s14+$0x0] =	vst.idx.add.s32.msk vm11, v1  }
0x17a: {  	v6 =	vsub.s32 v6, v2;
	v9 =	vld [tilespmem:s0+$0x4000]  }
0x17b: {  	v4 =	vsub.s32 v4, v2;
	vm14 =	vlt.u32 v6, v3  }
0x17c: {  	v5 =	vsub.s32 v5, v2;
	vm12 =	vlt.u32 v4, v3  }
0x17d: {  	vm13 =	vlt.u32 v5, v3;
	v7 =	vsub.s32 v7, v2  }
0x17e: {  	vm15 =	vlt.u32 v7, v3;
	v8 =	vsub.s32 v8, v2  }
0x17f: {  	vm4 =	vlt.u32 v8, v3;
	v9 =	vsub.s32 v9, v2  }
0x180: {  	s20 =	sadd.s32 $0x1, s20;
	vm5 =	vlt.u32 v9, v3  }
0x181: {  	p0 =	sne.s32 s20, $0x10;
	[tilespmem:v6+s14+$0x0] =	vst.idx.add.s32.msk vm14, v1  }
.Ltmp3:
0x182: {  	[tilespmem:v4+s14+$0x0] =	vst.idx.add.s32.msk vm12, v1;
	(pc) =	sbr.rel @p0 .LBB2_4-.Ltmp3, $4  }
0x183: {  	[tilespmem:v5+s14+$0x0] =	vst.idx.add.s32.msk vm13, v1  }
0x184: {  	[tilespmem:v7+s14+$0x0] =	vst.idx.add.s32.msk vm15, v1  }
0x185: {  	[tilespmem:v8+s14+$0x0] =	vst.idx.add.s32.msk vm4, v1  }
0x186: {  	[tilespmem:v9+s14+$0x0] =	vst.idx.add.s32.msk vm5, v1  }
0x187: {  	s18 =	sadd.s32 $0x1, s18  }
0x188: {  	p0 =	sne.s32 s18, s9  }
.Ltmp4:
0x189: {  	_ = 	snop;
	(pc) =	sbr.rel @p0 .LBB2_1-.Ltmp4, $4  }
0x18a: {  	[hbm4b:s8+s16] =	stream.strided.scatter [tilespmem:s14], [sflag:$0x3], $0x10000, s17, s16, $0x38;
	[tilespmem:$0x18100] =	vst v63  }
0x18b: {  	_ =	swait.ge [sflag:s11], $0x10000  }
0x18c: {  	[sflag:s11] =	ssyncset.done $0x0  }
0x18d: {  	[sflag:s11] =	ssyncadd.s32 $0xFFFF0000  }
0x18e: {  	_ =	sfence.sel $0x180000  }
0x18f: {  	[bflag:$0x0] =	sbarrier.arrive $0xFFFF  }
0x190: {  	_ =	strace $0x9000004A  }
0x191: {  	s0 =	stileid.u32;
	[bflag:$0x2] =	sbarrier.arrive $0xFFFF  }
0x192: {  	p0 =	sne.s32 s0, $0x0;
	s0 =	rddreg [dreg:$0x2]  }
0x193: {  	s0 =	sadd.s32 @!p0 $0x100000, s0  }
0x194: {  	[sflag:s0] =	ssyncadd.tile.s32 @!p0 $0x1;
	_ =	shalt  }
.Lfunc_end2:
_tile_overlayer_lowered:
.L_overlay_start_2:
0x195: {  	(tag) =	ssettag $0x2  }
0x196: {  	s0 =	rddreg [dreg:$0x0];
	s2 =	stileid.u32  }
0x197: {  	s1 =	rddreg [dreg:$0x1];
	p0 =	sne.s32 s2, $0x0  }
0x198: {  	s3 =	rddreg [dreg:$0x2];
	[bflag:$0x3] =	sbarrier.arrive $0xFFFF;
	s2 =	simm.s32 @!p0 $0x1C03  }
0x199: {  	[timem:s3], [sflag:s2] =	dma.local @!p0 [hbm:s0], s1  }
0x19a: {  	s0 =	simm.s32 @!p0 $0x3  }
0x19b: {  	_ =	swait.ge @!p0 [sflag:s0], s1  }
0x19c: {  	s1 =	ssub.s32 @!p0 $0x0, s1;
	[sflag:s0] =	ssyncset.done @!p0 $0x0  }
0x19d: {  	[sflag:s0] =	ssyncadd.s32 @!p0 s1  }
0x19e: {  	[bflag:$0x3] =	sbarrier.arrive $0xFFFF  }
0x19f: {  	_ =	shalt  }

</sc_bundles>
